<compile_context>
chip_gen: v7x
topology: tpu7x:2x2x1
jax: 0.10.2.dev20260603
libtpu: 0.0.44.dev20260713+nightly
codegen_flags: <defaults>
</compile_context>

<pallas_src>
import jax
import jax.numpy as jnp
from jax import lax
from jax.experimental import pallas as pl
from jax.experimental.pallas import tpu as pltpu
from jax.experimental.pallas import tpu_sc as plsc

B = 16384
D = 32
NW = 32
CH = 128
SCALES = (1.0, 2.5, 1.0, 1.5)
NBUF = 4


def _sc_gather_body(ntab):
    def body(*refs):
        idx_and_tab = refs[:2 * ntab]
        out_refs = refs[2 * ntab:3 * ntab]
        idx_v = refs[3 * ntab]
        tmps = refs[3 * ntab + 1:3 * ntab + 1 + NBUF]
        sems = refs[3 * ntab + 1 + NBUF:3 * ntab + 1 + 2 * NBUF]
        wsems = refs[3 * ntab + 1 + 2 * NBUF:]
        idx_refs = idx_and_tab[:ntab]
        tab_refs = idx_and_tab[ntab:]
        nc = 2
        bpw = B // NW
        nch = bpw // CH
        wid = lax.axis_index("s") * nc + lax.axis_index("c")
        base = wid * bpw
        for j in range(ntab):
            pltpu.sync_copy(idx_refs[j].at[pl.ds(wid * nch, nch)],
                            idx_v.at[pl.ds(j * nch, nch)])
        pairs = [(j, c) for j in range(ntab) for c in range(nch)]

        def start(i):
            j, c = pairs[i]
            return pltpu.async_copy(
                tab_refs[j].at[idx_v.at[j * nch + c]], tmps[i % NBUF],
                sems[i % NBUF])

        gathers = [start(i) for i in range(min(NBUF, len(pairs)))]
        writes = [None] * NBUF
        for i, (j, c) in enumerate(pairs):
            b = i % NBUF
            gathers[b].wait()
            writes[b] = pltpu.async_copy(
                tmps[b], out_refs[j].at[pl.ds(base + c * CH, CH)], wsems[b])
            if i + NBUF < len(pairs):
                writes[b].wait()
                writes[b] = None
                gathers[b] = start(i + NBUF)
        for b in range(NBUF):
            if writes[b] is not None:
                writes[b].wait()
    return body


def _sc_gather(idxs, tabs):
    ntab = len(idxs)
    mesh = plsc.VectorSubcoreMesh(core_axis_name="c", subcore_axis_name="s")
    row_t = jax.ShapeDtypeStruct((B, 128), jnp.float32)
    nch = B // NW // CH
    fn = pl.kernel(
        _sc_gather_body(ntab),
        out_type=tuple([row_t] * ntab),
        mesh=mesh,
        scratch_types=(
            [pltpu.VMEM((ntab * nch, CH), jnp.int32)]
            + [pltpu.VMEM((CH, 128), jnp.float32)] * NBUF
            + [pltpu.SemaphoreType.DMA] * (2 * NBUF)
        ),
    )
    out = fn(*idxs, *tabs)
    return tuple(out) if isinstance(out, (tuple, list)) else (out,)


def _mlp_fn(v0):
    def body(g_ref, u_ref, s_ref, t_ref, ti_ref, tl_ref, w1_ref, b1_ref,
             w2_ref, b2_ref, o_ref):
        ti = ti_ref[...]
        tk = lax.bitwise_and(ti, 3)
        t_rows = t_ref[...]
        t_x = jnp.zeros((t_rows.shape[0], D), jnp.float32)
        for k in range(4):
            t_x = jnp.where(tk == k, t_rows[:, k * D:(k + 1) * D], t_x)
        t_x = jnp.where(ti >= v0, tl_ref[0:1, :], t_x)
        acc = (b1_ref[...]
               + jnp.dot(g_ref[:, :D] * SCALES[0], w1_ref[pl.ds(0, D), :],
                         preferred_element_type=jnp.float32)
               + jnp.dot(u_ref[:, :D] * SCALES[1], w1_ref[pl.ds(D, D), :],
                         preferred_element_type=jnp.float32)
               + jnp.dot(t_x, w1_ref[pl.ds(2 * D, D), :],
                         preferred_element_type=jnp.float32)
               + jnp.dot(s_ref[:, :D] * SCALES[3],
                         w1_ref[pl.ds(3 * D, D), :],
                         preferred_element_type=jnp.float32))
        h = jnp.maximum(acc, 0.0)
        o_ref[...] = jnp.dot(h, w2_ref[...],
                             preferred_element_type=jnp.float32) + b2_ref[...]
    return body


def _tc_mlp(g, u, s, t, ti, t_last, W1, b1, W2, b2, v0):
    bk = 2048
    grid = (B // bk,)
    row_spec = pl.BlockSpec((bk, 128), lambda i: (i, 0))
    return pl.pallas_call(
        _mlp_fn(v0),
        grid=grid,
        in_specs=[
            row_spec, row_spec, row_spec, row_spec,
            pl.BlockSpec((bk, 1), lambda i: (i, 0)),
            pl.BlockSpec((1, D), lambda i: (0, 0)),
            pl.BlockSpec((4 * D, 64), lambda i: (0, 0)),
            pl.BlockSpec((1, 64), lambda i: (0, 0)),
            pl.BlockSpec((64, D), lambda i: (0, 0)),
            pl.BlockSpec((1, D), lambda i: (0, 0)),
        ],
        out_specs=pl.BlockSpec((bk, D), lambda i: (i, 0)),
        out_shape=jax.ShapeDtypeStruct((B, D), jnp.float32),
    )(g, u, s, t, ti, t_last, W1, b1, W2, b2)


def kernel(gender, usage, articleType, season,
           gender_table, usage_table, type_table, season_table,
           W1, b1, W2, b2):
    gi = gender.astype(jnp.int32).reshape(B // CH, CH)
    ui = usage.astype(jnp.int32).reshape(B // CH, CH)
    si = season.astype(jnp.int32).reshape(B // CH, CH)
    ti = articleType.astype(jnp.int32)

    pad = jnp.zeros((gender_table.shape[0], 128 - D), jnp.float32)
    g_tab = jnp.concatenate([gender_table, pad], axis=1)
    u_tab = jnp.concatenate([usage_table, pad], axis=1)
    s_tab = jnp.concatenate([season_table, pad], axis=1)

    g, u, s = _sc_gather((gi, ui, si), (g_tab, u_tab, s_tab))

    v = type_table.shape[0]
    v0 = v - v % 4
    t_tab = type_table[:v0].reshape(v0 // 4, 4 * D)
    t_last = type_table[v0:v0 + 1]
    t_sup = jnp.where(ti >= v0, 0, ti // 4).reshape(B // CH, CH)
    (t,) = _sc_gather((t_sup,), (t_tab,))

    b1v = b1.reshape(1, 64)
    b2v = b2.reshape(1, D)
    return _tc_mlp(g, u, s, t, ti.reshape(B, 1), t_last, W1, b1v, W2, b2v,
                   v0)

# --- scband reference (transcript-rebuilt; emitter-appended) ---
"""Pipeline reference for scband-query-50921132261621 (READ-ONLY COPY).

The authoritative reference and input builder live on the scoring server;
editing this copy changes nothing except your own understanding.
"""

import jax, jax.numpy as jnp
import numpy as np

GENDER_V = 1001
USAGE_V = 1001
TYPE_V = 100001
SEASON_V = 1001
D = 32
B = 16384


def setup_inputs(seed: int = 0) -> dict:
    key = jax.random.key(seed)
    ks = jax.random.split(key, 12)
    gender = jax.random.randint(ks[0], (B,), 0, GENDER_V, dtype=jnp.int64 if jax.config.jax_enable_x64 else jnp.int32)
    usage = jax.random.randint(ks[1], (B,), 0, USAGE_V, dtype=gender.dtype)
    articleType = jax.random.randint(ks[2], (B,), 0, TYPE_V, dtype=gender.dtype)
    season = jax.random.randint(ks[3], (B,), 0, SEASON_V, dtype=gender.dtype)
    gender_table = jax.random.normal(ks[4], (GENDER_V, D), dtype=jnp.float32) * 0.05
    usage_table = jax.random.normal(ks[5], (USAGE_V, D), dtype=jnp.float32) * 0.05
    type_table = jax.random.normal(ks[6], (TYPE_V, D), dtype=jnp.float32) * 0.05
    season_table = jax.random.normal(ks[7], (SEASON_V, D), dtype=jnp.float32) * 0.05
    in_dim = 4 * D
    W1 = jax.random.normal(ks[8], (in_dim, 64), dtype=jnp.float32) * (1.0 / np.sqrt(in_dim))
    b1 = jnp.zeros((64,), dtype=jnp.float32)
    W2 = jax.random.normal(ks[9], (64, 32), dtype=jnp.float32) * (1.0 / np.sqrt(64))
    b2 = jnp.zeros((32,), dtype=jnp.float32)
    return {
        'gender': gender, 'usage': usage, 'articleType': articleType, 'season': season,
        'gender_table': gender_table, 'usage_table': usage_table,
        'type_table': type_table, 'season_table': season_table,
        'W1': W1, 'b1': b1, 'W2': W2, 'b2': b2,
    }


def reference(gender, usage, articleType, season,
              gender_table, usage_table, type_table, season_table,
              W1, b1, W2, b2):
    # StringLookup replaced by precomputed integer ids; Embedding -> table gather
    g = jnp.take(gender_table, gender, axis=0) * 1.0
    u = jnp.take(usage_table, usage, axis=0) * 2.5
    t = jnp.take(type_table, articleType, axis=0)
    s = jnp.take(season_table, season, axis=0) * 1.5
    x = jnp.concatenate([g, u, t, s], axis=1)
    h = jax.nn.relu(x @ W1 + b1)
    return h @ W2 + b2

if __name__ == "__main__":
    import jax
    _d = setup_inputs()
    print(jax.jit(kernel)(*tuple(_d.values())))

</pallas_src>

<mosaic_0001>
#map = affine_map<(d0, d1) -> (0, 0)>
module attributes {stable_mosaic.version = 14 : i64} {
  func.func @body(%arg0: i32, %arg1: i32, %arg2: memref<128x128xi32, #tpu.memory_space<hbm>>, %arg3: memref<128x128xi32, #tpu.memory_space<hbm>>, %arg4: memref<128x128xi32, #tpu.memory_space<hbm>>, %arg5: memref<1001x128xf32, #tpu.memory_space<hbm>>, %arg6: memref<1001x128xf32, #tpu.memory_space<hbm>>, %arg7: memref<1001x128xf32, #tpu.memory_space<hbm>>, %arg8: memref<16384x128xf32, #tpu.memory_space<hbm>>, %arg9: memref<16384x128xf32, #tpu.memory_space<hbm>>, %arg10: memref<16384x128xf32, #tpu.memory_space<hbm>>, %arg11: memref<12x128xi32, #tpu.memory_space<vmem>>, %arg12: memref<128x128xf32, #tpu.memory_space<vmem>>, %arg13: memref<128x128xf32, #tpu.memory_space<vmem>>, %arg14: memref<128x128xf32, #tpu.memory_space<vmem>>, %arg15: memref<128x128xf32, #tpu.memory_space<vmem>>, %arg16: memref<!tpu.dma_semaphore, #tpu.memory_space<semaphore_mem>>, %arg17: memref<!tpu.dma_semaphore, #tpu.memory_space<semaphore_mem>>, %arg18: memref<!tpu.dma_semaphore, #tpu.memory_space<semaphore_mem>>, %arg19: memref<!tpu.dma_semaphore, #tpu.memory_space<semaphore_mem>>, %arg20: memref<!tpu.dma_semaphore, #tpu.memory_space<semaphore_mem>>, %arg21: memref<!tpu.dma_semaphore, #tpu.memory_space<semaphore_mem>>, %arg22: memref<!tpu.dma_semaphore, #tpu.memory_space<semaphore_mem>>, %arg23: memref<!tpu.dma_semaphore, #tpu.memory_space<semaphore_mem>>) attributes {dimension_semantics = [#tpu.dimension_semantics<core_parallel>, #tpu.dimension_semantics<subcore_parallel>], iteration_bounds = array<i64: 2, 16>, scalar_prefetch = 0 : i64, scratch_operands = 13 : i64, tpu.core_type = #tpu.core_type<sc_vector_subcore>, window_params = [{transform_indices = #map}, {transform_indices = #map}, {transform_indices = #map}, {transform_indices = #map}, {transform_indices = #map}, {transform_indices = #map}, {transform_indices = #map}, {transform_indices = #map}, {transform_indices = #map}]} {
    %mul3A = arith.constant 2 : i32
    %mul3A_0 = arith.muli %arg1, %mul3A : i32
    %add3A = arith.addi %mul3A_0, %arg0 : i32
    %mul3A_1 = arith.constant 512 : i32
    %mul3A_2 = arith.muli %add3A, %mul3A_1 : i32
    %mul3A_3 = arith.constant 4 : i32
    %mul3A_4 = arith.muli %add3A, %mul3A_3 : i32
    "tpu.region"() ({
      %run_scoped3A = tpu.sem_alloc : memref<!tpu.dma_semaphore, #tpu.memory_space<semaphore_mem>>
      %dma_start3A_295 = arith.constant 0 : i32
      %dma_start3A_296 = arith.constant 0 : i32
      %dma_start3A_297 = tpu.memref_slice %arg11[%dma_start3A_295, %dma_start3A_296] : memref<12x128xi32, #tpu.memory_space<vmem>> -> memref<4x128xi32, #tpu.memory_space<vmem>>
      %dma_start3A_298 = arith.constant 0 : i32
      %dma_start3A_299 = tpu.memref_slice %arg2[%mul3A_4, %dma_start3A_298] : memref<128x128xi32, #tpu.memory_space<hbm>> -> memref<4x128xi32, #tpu.memory_space<hbm>>
      %dma_start3A_300 = arith.constant 0 : i32
      %dma_start3A_301 = arith.constant 0 : i32
      %dma_start3A_302 = tpu.memref_slice %arg11[%dma_start3A_300, %dma_start3A_301] : memref<12x128xi32, #tpu.memory_space<vmem>> -> memref<4x128xi32, #tpu.memory_space<vmem>>
      %dma_start3A_303 = arith.constant 0 : i32
      %dma_start3A_304 = tpu.memref_slice %arg2[%mul3A_4, %dma_start3A_303] : memref<128x128xi32, #tpu.memory_space<hbm>> -> memref<4x128xi32, #tpu.memory_space<hbm>>
      tpu.enqueue_dma source(%dma_start3A_304 : memref<4x128xi32, #tpu.memory_space<hbm>>) target(%dma_start3A_302 : memref<4x128xi32, #tpu.memory_space<vmem>>) target_semaphore(%run_scoped3A : memref<!tpu.dma_semaphore, #tpu.memory_space<semaphore_mem>>)
      %dma_wait3A_305 = arith.constant 0 : i32
      %dma_wait3A_306 = arith.constant 0 : i32
      %dma_wait3A_307 = tpu.memref_slice %arg11[%dma_wait3A_305, %dma_wait3A_306] : memref<12x128xi32, #tpu.memory_space<vmem>> -> memref<4x128xi32, #tpu.memory_space<vmem>>
      %dma_wait3A_308 = arith.constant 0 : i32
      %dma_wait3A_309 = tpu.memref_slice %arg2[%mul3A_4, %dma_wait3A_308] : memref<128x128xi32, #tpu.memory_space<hbm>> -> memref<4x128xi32, #tpu.memory_space<hbm>>
      %dma_wait3A_310 = arith.constant 0 : i32
      %dma_wait3A_311 = arith.constant 0 : i32
      %dma_wait3A_312 = tpu.memref_slice %arg11[%dma_wait3A_310, %dma_wait3A_311] : memref<12x128xi32, #tpu.memory_space<vmem>> -> memref<4x128xi32, #tpu.memory_space<vmem>>
      %dma_wait3A_313 = arith.constant 0 : i32
      %dma_wait3A_314 = tpu.memref_slice %arg2[%mul3A_4, %dma_wait3A_313] : memref<128x128xi32, #tpu.memory_space<hbm>> -> memref<4x128xi32, #tpu.memory_space<hbm>>
      tpu.wait_dma2 semaphore(%run_scoped3A : memref<!tpu.dma_semaphore, #tpu.memory_space<semaphore_mem>>) src(%dma_wait3A_314 : memref<4x128xi32, #tpu.memory_space<hbm>>) dst(%dma_wait3A_312 : memref<4x128xi32, #tpu.memory_space<vmem>>)
      tpu.yield
    }) : () -> ()
    %mul3A_5 = arith.constant 4 : i32
    %mul3A_6 = arith.muli %add3A, %mul3A_5 : i32
    "tpu.region"() ({
      %run_scoped3A = tpu.sem_alloc : memref<!tpu.dma_semaphore, #tpu.memory_space<semaphore_mem>>
      %dma_start3A_295 = arith.constant 4 : i32
      %dma_start3A_296 = arith.constant 0 : i32
      %dma_start3A_297 = tpu.memref_slice %arg11[%dma_start3A_295, %dma_start3A_296] : memref<12x128xi32, #tpu.memory_space<vmem>> -> memref<4x128xi32, #tpu.memory_space<vmem>>
      %dma_start3A_298 = arith.constant 0 : i32
      %dma_start3A_299 = tpu.memref_slice %arg3[%mul3A_6, %dma_start3A_298] : memref<128x128xi32, #tpu.memory_space<hbm>> -> memref<4x128xi32, #tpu.memory_space<hbm>>
      %dma_start3A_300 = arith.constant 4 : i32
      %dma_start3A_301 = arith.constant 0 : i32
      %dma_start3A_302 = tpu.memref_slice %arg11[%dma_start3A_300, %dma_start3A_301] : memref<12x128xi32, #tpu.memory_space<vmem>> -> memref<4x128xi32, #tpu.memory_space<vmem>>
      %dma_start3A_303 = arith.constant 0 : i32
      %dma_start3A_304 = tpu.memref_slice %arg3[%mul3A_6, %dma_start3A_303] : memref<128x128xi32, #tpu.memory_space<hbm>> -> memref<4x128xi32, #tpu.memory_space<hbm>>
      tpu.enqueue_dma source(%dma_start3A_304 : memref<4x128xi32, #tpu.memory_space<hbm>>) target(%dma_start3A_302 : memref<4x128xi32, #tpu.memory_space<vmem>>) target_semaphore(%run_scoped3A : memref<!tpu.dma_semaphore, #tpu.memory_space<semaphore_mem>>)
      %dma_wait3A_305 = arith.constant 4 : i32
      %dma_wait3A_306 = arith.constant 0 : i32
      %dma_wait3A_307 = tpu.memref_slice %arg11[%dma_wait3A_305, %dma_wait3A_306] : memref<12x128xi32, #tpu.memory_space<vmem>> -> memref<4x128xi32, #tpu.memory_space<vmem>>
      %dma_wait3A_308 = arith.constant 0 : i32
      %dma_wait3A_309 = tpu.memref_slice %arg3[%mul3A_6, %dma_wait3A_308] : memref<128x128xi32, #tpu.memory_space<hbm>> -> memref<4x128xi32, #tpu.memory_space<hbm>>
      %dma_wait3A_310 = arith.constant 4 : i32
      %dma_wait3A_311 = arith.constant 0 : i32
      %dma_wait3A_312 = tpu.memref_slice %arg11[%dma_wait3A_310, %dma_wait3A_311] : memref<12x128xi32, #tpu.memory_space<vmem>> -> memref<4x128xi32, #tpu.memory_space<vmem>>
      %dma_wait3A_313 = arith.constant 0 : i32
      %dma_wait3A_314 = tpu.memref_slice %arg3[%mul3A_6, %dma_wait3A_313] : memref<128x128xi32, #tpu.memory_space<hbm>> -> memref<4x128xi32, #tpu.memory_space<hbm>>
      tpu.wait_dma2 semaphore(%run_scoped3A : memref<!tpu.dma_semaphore, #tpu.memory_space<semaphore_mem>>) src(%dma_wait3A_314 : memref<4x128xi32, #tpu.memory_space<hbm>>) dst(%dma_wait3A_312 : memref<4x128xi32, #tpu.memory_space<vmem>>)
      tpu.yield
    }) : () -> ()
    %mul3A_7 = arith.constant 4 : i32
    %mul3A_8 = arith.muli %add3A, %mul3A_7 : i32
    "tpu.region"() ({
      %run_scoped3A = tpu.sem_alloc : memref<!tpu.dma_semaphore, #tpu.memory_space<semaphore_mem>>
      %dma_start3A_295 = arith.constant 8 : i32
      %dma_start3A_296 = arith.constant 0 : i32
      %dma_start3A_297 = tpu.memref_slice %arg11[%dma_start3A_295, %dma_start3A_296] : memref<12x128xi32, #tpu.memory_space<vmem>> -> memref<4x128xi32, #tpu.memory_space<vmem>>
      %dma_start3A_298 = arith.constant 0 : i32
      %dma_start3A_299 = tpu.memref_slice %arg4[%mul3A_8, %dma_start3A_298] : memref<128x128xi32, #tpu.memory_space<hbm>> -> memref<4x128xi32, #tpu.memory_space<hbm>>
      %dma_start3A_300 = arith.constant 8 : i32
      %dma_start3A_301 = arith.constant 0 : i32
      %dma_start3A_302 = tpu.memref_slice %arg11[%dma_start3A_300, %dma_start3A_301] : memref<12x128xi32, #tpu.memory_space<vmem>> -> memref<4x128xi32, #tpu.memory_space<vmem>>
      %dma_start3A_303 = arith.constant 0 : i32
      %dma_start3A_304 = tpu.memref_slice %arg4[%mul3A_8, %dma_start3A_303] : memref<128x128xi32, #tpu.memory_space<hbm>> -> memref<4x128xi32, #tpu.memory_space<hbm>>
      tpu.enqueue_dma source(%dma_start3A_304 : memref<4x128xi32, #tpu.memory_space<hbm>>) target(%dma_start3A_302 : memref<4x128xi32, #tpu.memory_space<vmem>>) target_semaphore(%run_scoped3A : memref<!tpu.dma_semaphore, #tpu.memory_space<semaphore_mem>>)
      %dma_wait3A_305 = arith.constant 8 : i32
      %dma_wait3A_306 = arith.constant 0 : i32
      %dma_wait3A_307 = tpu.memref_slice %arg11[%dma_wait3A_305, %dma_wait3A_306] : memref<12x128xi32, #tpu.memory_space<vmem>> -> memref<4x128xi32, #tpu.memory_space<vmem>>
      %dma_wait3A_308 = arith.constant 0 : i32
      %dma_wait3A_309 = tpu.memref_slice %arg4[%mul3A_8, %dma_wait3A_308] : memref<128x128xi32, #tpu.memory_space<hbm>> -> memref<4x128xi32, #tpu.memory_space<hbm>>
      %dma_wait3A_310 = arith.constant 8 : i32
      %dma_wait3A_311 = arith.constant 0 : i32
      %dma_wait3A_312 = tpu.memref_slice %arg11[%dma_wait3A_310, %dma_wait3A_311] : memref<12x128xi32, #tpu.memory_space<vmem>> -> memref<4x128xi32, #tpu.memory_space<vmem>>
      %dma_wait3A_313 = arith.constant 0 : i32
      %dma_wait3A_314 = tpu.memref_slice %arg4[%mul3A_8, %dma_wait3A_313] : memref<128x128xi32, #tpu.memory_space<hbm>> -> memref<4x128xi32, #tpu.memory_space<hbm>>
      tpu.wait_dma2 semaphore(%run_scoped3A : memref<!tpu.dma_semaphore, #tpu.memory_space<semaphore_mem>>) src(%dma_wait3A_314 : memref<4x128xi32, #tpu.memory_space<hbm>>) dst(%dma_wait3A_312 : memref<4x128xi32, #tpu.memory_space<vmem>>)
      tpu.yield
    }) : () -> ()
    %dma_start3A = arith.constant 0 : i32
    %dma_start3A_9 = arith.constant 0 : i32
    %dma_start3A_10 = tpu.memref_slice %arg11[%dma_start3A, %dma_start3A_9] : memref<12x128xi32, #tpu.memory_space<vmem>> -> memref<1x128xi32, #tpu.memory_space<vmem>>
    %dma_start3A_11 = tpu.memref_squeeze %dma_start3A_10 : memref<1x128xi32, #tpu.memory_space<vmem>> -> memref<128xi32, #tpu.memory_space<vmem>>
    %dma_start3A_12 = arith.constant 0 : i32
    %dma_start3A_13 = arith.constant 0 : i32
    %dma_start3A_14 = tpu.memref_slice %arg5[%dma_start3A_12, %dma_start3A_13] : memref<1001x128xf32, #tpu.memory_space<hbm>> -> memref<1001x128xf32, #tpu.memory_space<hbm>>
    tpu.enqueue_indirect_dma source(%dma_start3A_14 : memref<1001x128xf32, #tpu.memory_space<hbm>>) target(%arg12 : memref<128x128xf32, #tpu.memory_space<vmem>>) offsets(%dma_start3A_11 : memref<128xi32, #tpu.memory_space<vmem>>) semaphore(%arg16 : memref<!tpu.dma_semaphore, #tpu.memory_space<semaphore_mem>>)
    %dma_start3A_15 = arith.constant 1 : i32
    %dma_start3A_16 = arith.constant 0 : i32
    %dma_start3A_17 = tpu.memref_slice %arg11[%dma_start3A_15, %dma_start3A_16] : memref<12x128xi32, #tpu.memory_space<vmem>> -> memref<1x128xi32, #tpu.memory_space<vmem>>
    %dma_start3A_18 = tpu.memref_squeeze %dma_start3A_17 : memref<1x128xi32, #tpu.memory_space<vmem>> -> memref<128xi32, #tpu.memory_space<vmem>>
    %dma_start3A_19 = arith.constant 0 : i32
    %dma_start3A_20 = arith.constant 0 : i32
    %dma_start3A_21 = tpu.memref_slice %arg5[%dma_start3A_19, %dma_start3A_20] : memref<1001x128xf32, #tpu.memory_space<hbm>> -> memref<1001x128xf32, #tpu.memory_space<hbm>>
    tpu.enqueue_indirect_dma source(%dma_start3A_21 : memref<1001x128xf32, #tpu.memory_space<hbm>>) target(%arg13 : memref<128x128xf32, #tpu.memory_space<vmem>>) offsets(%dma_start3A_18 : memref<128xi32, #tpu.memory_space<vmem>>) semaphore(%arg17 : memref<!tpu.dma_semaphore, #tpu.memory_space<semaphore_mem>>)
    %dma_start3A_22 = arith.constant 2 : i32
    %dma_start3A_23 = arith.constant 0 : i32
    %dma_start3A_24 = tpu.memref_slice %arg11[%dma_start3A_22, %dma_start3A_23] : memref<12x128xi32, #tpu.memory_space<vmem>> -> memref<1x128xi32, #tpu.memory_space<vmem>>
    %dma_start3A_25 = tpu.memref_squeeze %dma_start3A_24 : memref<1x128xi32, #tpu.memory_space<vmem>> -> memref<128xi32, #tpu.memory_space<vmem>>
    %dma_start3A_26 = arith.constant 0 : i32
    %dma_start3A_27 = arith.constant 0 : i32
    %dma_start3A_28 = tpu.memref_slice %arg5[%dma_start3A_26, %dma_start3A_27] : memref<1001x128xf32, #tpu.memory_space<hbm>> -> memref<1001x128xf32, #tpu.memory_space<hbm>>
    tpu.enqueue_indirect_dma source(%dma_start3A_28 : memref<1001x128xf32, #tpu.memory_space<hbm>>) target(%arg14 : memref<128x128xf32, #tpu.memory_space<vmem>>) offsets(%dma_start3A_25 : memref<128xi32, #tpu.memory_space<vmem>>) semaphore(%arg18 : memref<!tpu.dma_semaphore, #tpu.memory_space<semaphore_mem>>)
    %dma_start3A_29 = arith.constant 3 : i32
    %dma_start3A_30 = arith.constant 0 : i32
    %dma_start3A_31 = tpu.memref_slice %arg11[%dma_start3A_29, %dma_start3A_30] : memref<12x128xi32, #tpu.memory_space<vmem>> -> memref<1x128xi32, #tpu.memory_space<vmem>>
    %dma_start3A_32 = tpu.memref_squeeze %dma_start3A_31 : memref<1x128xi32, #tpu.memory_space<vmem>> -> memref<128xi32, #tpu.memory_space<vmem>>
    %dma_start3A_33 = arith.constant 0 : i32
    %dma_start3A_34 = arith.constant 0 : i32
    %dma_start3A_35 = tpu.memref_slice %arg5[%dma_start3A_33, %dma_start3A_34] : memref<1001x128xf32, #tpu.memory_space<hbm>> -> memref<1001x128xf32, #tpu.memory_space<hbm>>
    tpu.enqueue_indirect_dma source(%dma_start3A_35 : memref<1001x128xf32, #tpu.memory_space<hbm>>) target(%arg15 : memref<128x128xf32, #tpu.memory_space<vmem>>) offsets(%dma_start3A_32 : memref<128xi32, #tpu.memory_space<vmem>>) semaphore(%arg19 : memref<!tpu.dma_semaphore, #tpu.memory_space<semaphore_mem>>)
    %dma_wait3A = arith.constant 0 : i32
    %dma_wait3A_36 = arith.constant 0 : i32
    %dma_wait3A_37 = tpu.memref_slice %arg11[%dma_wait3A, %dma_wait3A_36] : memref<12x128xi32, #tpu.memory_space<vmem>> -> memref<1x128xi32, #tpu.memory_space<vmem>>
    %dma_wait3A_38 = tpu.memref_squeeze %dma_wait3A_37 : memref<1x128xi32, #tpu.memory_space<vmem>> -> memref<128xi32, #tpu.memory_space<vmem>>
    %dma_wait3A_39 = arith.constant 0 : i32
    %dma_wait3A_40 = arith.constant 0 : i32
    %dma_wait3A_41 = tpu.memref_slice %arg5[%dma_wait3A_39, %dma_wait3A_40] : memref<1001x128xf32, #tpu.memory_space<hbm>> -> memref<1001x128xf32, #tpu.memory_space<hbm>>
    tpu.wait_indirect_dma semaphore(%arg16 : memref<!tpu.dma_semaphore, #tpu.memory_space<semaphore_mem>>) src(%dma_wait3A_41 : memref<1001x128xf32, #tpu.memory_space<hbm>>) dst(%arg12 : memref<128x128xf32, #tpu.memory_space<vmem>>)
    %add3A_42 = arith.constant 0 : i32
    %add3A_43 = arith.addi %mul3A_2, %add3A_42 : i32
    %dma_start3A_44 = arith.constant 0 : i32
    %dma_start3A_45 = tpu.memref_slice %arg8[%add3A_43, %dma_start3A_44] : memref<16384x128xf32, #tpu.memory_space<hbm>> -> memref<128x128xf32, #tpu.memory_space<hbm>>
    %dma_start3A_46 = arith.constant 0 : i32
    %dma_start3A_47 = tpu.memref_slice %arg8[%add3A_43, %dma_start3A_46] : memref<16384x128xf32, #tpu.memory_space<hbm>> -> memref<128x128xf32, #tpu.memory_space<hbm>>
    tpu.enqueue_dma source(%arg12 : memref<128x128xf32, #tpu.memory_space<vmem>>) target(%dma_start3A_47 : memref<128x128xf32, #tpu.memory_space<hbm>>) target_semaphore(%arg20 : memref<!tpu.dma_semaphore, #tpu.memory_space<semaphore_mem>>)
    %dma_wait3A_48 = arith.constant 0 : i32
    %dma_wait3A_49 = tpu.memref_slice %arg8[%add3A_43, %dma_wait3A_48] : memref<16384x128xf32, #tpu.memory_space<hbm>> -> memref<128x128xf32, #tpu.memory_space<hbm>>
    %dma_wait3A_50 = arith.constant 0 : i32
    %dma_wait3A_51 = tpu.memref_slice %arg8[%add3A_43, %dma_wait3A_50] : memref<16384x128xf32, #tpu.memory_space<hbm>> -> memref<128x128xf32, #tpu.memory_space<hbm>>
    tpu.wait_dma2 semaphore(%arg20 : memref<!tpu.dma_semaphore, #tpu.memory_space<semaphore_mem>>) src(%arg12 : memref<128x128xf32, #tpu.memory_space<vmem>>) dst(%dma_wait3A_51 : memref<128x128xf32, #tpu.memory_space<hbm>>)
    %dma_start3A_52 = arith.constant 4 : i32
    %dma_start3A_53 = arith.constant 0 : i32
    %dma_start3A_54 = tpu.memref_slice %arg11[%dma_start3A_52, %dma_start3A_53] : memref<12x128xi32, #tpu.memory_space<vmem>> -> memref<1x128xi32, #tpu.memory_space<vmem>>
    %dma_start3A_55 = tpu.memref_squeeze %dma_start3A_54 : memref<1x128xi32, #tpu.memory_space<vmem>> -> memref<128xi32, #tpu.memory_space<vmem>>
    %dma_start3A_56 = arith.constant 0 : i32
    %dma_start3A_57 = arith.constant 0 : i32
    %dma_start3A_58 = tpu.memref_slice %arg6[%dma_start3A_56, %dma_start3A_57] : memref<1001x128xf32, #tpu.memory_space<hbm>> -> memref<1001x128xf32, #tpu.memory_space<hbm>>
    tpu.enqueue_indirect_dma source(%dma_start3A_58 : memref<1001x128xf32, #tpu.memory_space<hbm>>) target(%arg12 : memref<128x128xf32, #tpu.memory_space<vmem>>) offsets(%dma_start3A_55 : memref<128xi32, #tpu.memory_space<vmem>>) semaphore(%arg16 : memref<!tpu.dma_semaphore, #tpu.memory_space<semaphore_mem>>)
    %dma_wait3A_59 = arith.constant 1 : i32
    %dma_wait3A_60 = arith.constant 0 : i32
    %dma_wait3A_61 = tpu.memref_slice %arg11[%dma_wait3A_59, %dma_wait3A_60] : memref<12x128xi32, #tpu.memory_space<vmem>> -> memref<1x128xi32, #tpu.memory_space<vmem>>
    %dma_wait3A_62 = tpu.memref_squeeze %dma_wait3A_61 : memref<1x128xi32, #tpu.memory_space<vmem>> -> memref<128xi32, #tpu.memory_space<vmem>>
    %dma_wait3A_63 = arith.constant 0 : i32
    %dma_wait3A_64 = arith.constant 0 : i32
    %dma_wait3A_65 = tpu.memref_slice %arg5[%dma_wait3A_63, %dma_wait3A_64] : memref<1001x128xf32, #tpu.memory_space<hbm>> -> memref<1001x128xf32, #tpu.memory_space<hbm>>
    tpu.wait_indirect_dma semaphore(%arg17 : memref<!tpu.dma_semaphore, #tpu.memory_space<semaphore_mem>>) src(%dma_wait3A_65 : memref<1001x128xf32, #tpu.memory_space<hbm>>) dst(%arg13 : memref<128x128xf32, #tpu.memory_space<vmem>>)
    %add3A_66 = arith.constant 128 : i32
    %add3A_67 = arith.addi %mul3A_2, %add3A_66 : i32
    %dma_start3A_68 = arith.constant 0 : i32
    %dma_start3A_69 = tpu.memref_slice %arg8[%add3A_67, %dma_start3A_68] : memref<16384x128xf32, #tpu.memory_space<hbm>> -> memref<128x128xf32, #tpu.memory_space<hbm>>
    %dma_start3A_70 = arith.constant 0 : i32
    %dma_start3A_71 = tpu.memref_slice %arg8[%add3A_67, %dma_start3A_70] : memref<16384x128xf32, #tpu.memory_space<hbm>> -> memref<128x128xf32, #tpu.memory_space<hbm>>
    tpu.enqueue_dma source(%arg13 : memref<128x128xf32, #tpu.memory_space<vmem>>) target(%dma_start3A_71 : memref<128x128xf32, #tpu.memory_space<hbm>>) target_semaphore(%arg21 : memref<!tpu.dma_semaphore, #tpu.memory_space<semaphore_mem>>)
    %dma_wait3A_72 = arith.constant 0 : i32
    %dma_wait3A_73 = tpu.memref_slice %arg8[%add3A_67, %dma_wait3A_72] : memref<16384x128xf32, #tpu.memory_space<hbm>> -> memref<128x128xf32, #tpu.memory_space<hbm>>
    %dma_wait3A_74 = arith.constant 0 : i32
    %dma_wait3A_75 = tpu.memref_slice %arg8[%add3A_67, %dma_wait3A_74] : memref<16384x128xf32, #tpu.memory_space<hbm>> -> memref<128x128xf32, #tpu.memory_space<hbm>>
    tpu.wait_dma2 semaphore(%arg21 : memref<!tpu.dma_semaphore, #tpu.memory_space<semaphore_mem>>) src(%arg13 : memref<128x128xf32, #tpu.memory_space<vmem>>) dst(%dma_wait3A_75 : memref<128x128xf32, #tpu.memory_space<hbm>>)
    %dma_start3A_76 = arith.constant 5 : i32
    %dma_start3A_77 = arith.constant 0 : i32
    %dma_start3A_78 = tpu.memref_slice %arg11[%dma_start3A_76, %dma_start3A_77] : memref<12x128xi32, #tpu.memory_space<vmem>> -> memref<1x128xi32, #tpu.memory_space<vmem>>
    %dma_start3A_79 = tpu.memref_squeeze %dma_start3A_78 : memref<1x128xi32, #tpu.memory_space<vmem>> -> memref<128xi32, #tpu.memory_space<vmem>>
    %dma_start3A_80 = arith.constant 0 : i32
    %dma_start3A_81 = arith.constant 0 : i32
    %dma_start3A_82 = tpu.memref_slice %arg6[%dma_start3A_80, %dma_start3A_81] : memref<1001x128xf32, #tpu.memory_space<hbm>> -> memref<1001x128xf32, #tpu.memory_space<hbm>>
    tpu.enqueue_indirect_dma source(%dma_start3A_82 : memref<1001x128xf32, #tpu.memory_space<hbm>>) target(%arg13 : memref<128x128xf32, #tpu.memory_space<vmem>>) offsets(%dma_start3A_79 : memref<128xi32, #tpu.memory_space<vmem>>) semaphore(%arg17 : memref<!tpu.dma_semaphore, #tpu.memory_space<semaphore_mem>>)
    %dma_wait3A_83 = arith.constant 2 : i32
    %dma_wait3A_84 = arith.constant 0 : i32
    %dma_wait3A_85 = tpu.memref_slice %arg11[%dma_wait3A_83, %dma_wait3A_84] : memref<12x128xi32, #tpu.memory_space<vmem>> -> memref<1x128xi32, #tpu.memory_space<vmem>>
    %dma_wait3A_86 = tpu.memref_squeeze %dma_wait3A_85 : memref<1x128xi32, #tpu.memory_space<vmem>> -> memref<128xi32, #tpu.memory_space<vmem>>
    %dma_wait3A_87 = arith.constant 0 : i32
    %dma_wait3A_88 = arith.constant 0 : i32
    %dma_wait3A_89 = tpu.memref_slice %arg5[%dma_wait3A_87, %dma_wait3A_88] : memref<1001x128xf32, #tpu.memory_space<hbm>> -> memref<1001x128xf32, #tpu.memory_space<hbm>>
    tpu.wait_indirect_dma semaphore(%arg18 : memref<!tpu.dma_semaphore, #tpu.memory_space<semaphore_mem>>) src(%dma_wait3A_89 : memref<1001x128xf32, #tpu.memory_space<hbm>>) dst(%arg14 : memref<128x128xf32, #tpu.memory_space<vmem>>)
    %add3A_90 = arith.constant 256 : i32
    %add3A_91 = arith.addi %mul3A_2, %add3A_90 : i32
    %dma_start3A_92 = arith.constant 0 : i32
    %dma_start3A_93 = tpu.memref_slice %arg8[%add3A_91, %dma_start3A_92] : memref<16384x128xf32, #tpu.memory_space<hbm>> -> memref<128x128xf32, #tpu.memory_space<hbm>>
    %dma_start3A_94 = arith.constant 0 : i32
    %dma_start3A_95 = tpu.memref_slice %arg8[%add3A_91, %dma_start3A_94] : memref<16384x128xf32, #tpu.memory_space<hbm>> -> memref<128x128xf32, #tpu.memory_space<hbm>>
    tpu.enqueue_dma source(%arg14 : memref<128x128xf32, #tpu.memory_space<vmem>>) target(%dma_start3A_95 : memref<128x128xf32, #tpu.memory_space<hbm>>) target_semaphore(%arg22 : memref<!tpu.dma_semaphore, #tpu.memory_space<semaphore_mem>>)
    %dma_wait3A_96 = arith.constant 0 : i32
    %dma_wait3A_97 = tpu.memref_slice %arg8[%add3A_91, %dma_wait3A_96] : memref<16384x128xf32, #tpu.memory_space<hbm>> -> memref<128x128xf32, #tpu.memory_space<hbm>>
    %dma_wait3A_98 = arith.constant 0 : i32
    %dma_wait3A_99 = tpu.memref_slice %arg8[%add3A_91, %dma_wait3A_98] : memref<16384x128xf32, #tpu.memory_space<hbm>> -> memref<128x128xf32, #tpu.memory_space<hbm>>
    tpu.wait_dma2 semaphore(%arg22 : memref<!tpu.dma_semaphore, #tpu.memory_space<semaphore_mem>>) src(%arg14 : memref<128x128xf32, #tpu.memory_space<vmem>>) dst(%dma_wait3A_99 : memref<128x128xf32, #tpu.memory_space<hbm>>)
    %dma_start3A_100 = arith.constant 6 : i32
    %dma_start3A_101 = arith.constant 0 : i32
    %dma_start3A_102 = tpu.memref_slice %arg11[%dma_start3A_100, %dma_start3A_101] : memref<12x128xi32, #tpu.memory_space<vmem>> -> memref<1x128xi32, #tpu.memory_space<vmem>>
    %dma_start3A_103 = tpu.memref_squeeze %dma_start3A_102 : memref<1x128xi32, #tpu.memory_space<vmem>> -> memref<128xi32, #tpu.memory_space<vmem>>
    %dma_start3A_104 = arith.constant 0 : i32
    %dma_start3A_105 = arith.constant 0 : i32
    %dma_start3A_106 = tpu.memref_slice %arg6[%dma_start3A_104, %dma_start3A_105] : memref<1001x128xf32, #tpu.memory_space<hbm>> -> memref<1001x128xf32, #tpu.memory_space<hbm>>
    tpu.enqueue_indirect_dma source(%dma_start3A_106 : memref<1001x128xf32, #tpu.memory_space<hbm>>) target(%arg14 : memref<128x128xf32, #tpu.memory_space<vmem>>) offsets(%dma_start3A_103 : memref<128xi32, #tpu.memory_space<vmem>>) semaphore(%arg18 : memref<!tpu.dma_semaphore, #tpu.memory_space<semaphore_mem>>)
    %dma_wait3A_107 = arith.constant 3 : i32
    %dma_wait3A_108 = arith.constant 0 : i32
    %dma_wait3A_109 = tpu.memref_slice %arg11[%dma_wait3A_107, %dma_wait3A_108] : memref<12x128xi32, #tpu.memory_space<vmem>> -> memref<1x128xi32, #tpu.memory_space<vmem>>
    %dma_wait3A_110 = tpu.memref_squeeze %dma_wait3A_109 : memref<1x128xi32, #tpu.memory_space<vmem>> -> memref<128xi32, #tpu.memory_space<vmem>>
    %dma_wait3A_111 = arith.constant 0 : i32
    %dma_wait3A_112 = arith.constant 0 : i32
    %dma_wait3A_113 = tpu.memref_slice %arg5[%dma_wait3A_111, %dma_wait3A_112] : memref<1001x128xf32, #tpu.memory_space<hbm>> -> memref<1001x128xf32, #tpu.memory_space<hbm>>
    tpu.wait_indirect_dma semaphore(%arg19 : memref<!tpu.dma_semaphore, #tpu.memory_space<semaphore_mem>>) src(%dma_wait3A_113 : memref<1001x128xf32, #tpu.memory_space<hbm>>) dst(%arg15 : memref<128x128xf32, #tpu.memory_space<vmem>>)
    %add3A_114 = arith.constant 384 : i32
    %add3A_115 = arith.addi %mul3A_2, %add3A_114 : i32
    %dma_start3A_116 = arith.constant 0 : i32
    %dma_start3A_117 = tpu.memref_slice %arg8[%add3A_115, %dma_start3A_116] : memref<16384x128xf32, #tpu.memory_space<hbm>> -> memref<128x128xf32, #tpu.memory_space<hbm>>
    %dma_start3A_118 = arith.constant 0 : i32
    %dma_start3A_119 = tpu.memref_slice %arg8[%add3A_115, %dma_start3A_118] : memref<16384x128xf32, #tpu.memory_space<hbm>> -> memref<128x128xf32, #tpu.memory_space<hbm>>
    tpu.enqueue_dma source(%arg15 : memref<128x128xf32, #tpu.memory_space<vmem>>) target(%dma_start3A_119 : memref<128x128xf32, #tpu.memory_space<hbm>>) target_semaphore(%arg23 : memref<!tpu.dma_semaphore, #tpu.memory_space<semaphore_mem>>)
    %dma_wait3A_120 = arith.constant 0 : i32
    %dma_wait3A_121 = tpu.memref_slice %arg8[%add3A_115, %dma_wait3A_120] : memref<16384x128xf32, #tpu.memory_space<hbm>> -> memref<128x128xf32, #tpu.memory_space<hbm>>
    %dma_wait3A_122 = arith.constant 0 : i32
    %dma_wait3A_123 = tpu.memref_slice %arg8[%add3A_115, %dma_wait3A_122] : memref<16384x128xf32, #tpu.memory_space<hbm>> -> memref<128x128xf32, #tpu.memory_space<hbm>>
    tpu.wait_dma2 semaphore(%arg23 : memref<!tpu.dma_semaphore, #tpu.memory_space<semaphore_mem>>) src(%arg15 : memref<128x128xf32, #tpu.memory_space<vmem>>) dst(%dma_wait3A_123 : memref<128x128xf32, #tpu.memory_space<hbm>>)
    %dma_start3A_124 = arith.constant 7 : i32
    %dma_start3A_125 = arith.constant 0 : i32
    %dma_start3A_126 = tpu.memref_slice %arg11[%dma_start3A_124, %dma_start3A_125] : memref<12x128xi32, #tpu.memory_space<vmem>> -> memref<1x128xi32, #tpu.memory_space<vmem>>
    %dma_start3A_127 = tpu.memref_squeeze %dma_start3A_126 : memref<1x128xi32, #tpu.memory_space<vmem>> -> memref<128xi32, #tpu.memory_space<vmem>>
    %dma_start3A_128 = arith.constant 0 : i32
    %dma_start3A_129 = arith.constant 0 : i32
    %dma_start3A_130 = tpu.memref_slice %arg6[%dma_start3A_128, %dma_start3A_129] : memref<1001x128xf32, #tpu.memory_space<hbm>> -> memref<1001x128xf32, #tpu.memory_space<hbm>>
    tpu.enqueue_indirect_dma source(%dma_start3A_130 : memref<1001x128xf32, #tpu.memory_space<hbm>>) target(%arg15 : memref<128x128xf32, #tpu.memory_space<vmem>>) offsets(%dma_start3A_127 : memref<128xi32, #tpu.memory_space<vmem>>) semaphore(%arg19 : memref<!tpu.dma_semaphore, #tpu.memory_space<semaphore_mem>>)
    %dma_wait3A_131 = arith.constant 4 : i32
    %dma_wait3A_132 = arith.constant 0 : i32
    %dma_wait3A_133 = tpu.memref_slice %arg11[%dma_wait3A_131, %dma_wait3A_132] : memref<12x128xi32, #tpu.memory_space<vmem>> -> memref<1x128xi32, #tpu.memory_space<vmem>>
    %dma_wait3A_134 = tpu.memref_squeeze %dma_wait3A_133 : memref<1x128xi32, #tpu.memory_space<vmem>> -> memref<128xi32, #tpu.memory_space<vmem>>
    %dma_wait3A_135 = arith.constant 0 : i32
    %dma_wait3A_136 = arith.constant 0 : i32
    %dma_wait3A_137 = tpu.memref_slice %arg6[%dma_wait3A_135, %dma_wait3A_136] : memref<1001x128xf32, #tpu.memory_space<hbm>> -> memref<1001x128xf32, #tpu.memory_space<hbm>>
    tpu.wait_indirect_dma semaphore(%arg16 : memref<!tpu.dma_semaphore, #tpu.memory_space<semaphore_mem>>) src(%dma_wait3A_137 : memref<1001x128xf32, #tpu.memory_space<hbm>>) dst(%arg12 : memref<128x128xf32, #tpu.memory_space<vmem>>)
    %add3A_138 = arith.constant 0 : i32
    %add3A_139 = arith.addi %mul3A_2, %add3A_138 : i32
    %dma_start3A_140 = arith.constant 0 : i32
    %dma_start3A_141 = tpu.memref_slice %arg9[%add3A_139, %dma_start3A_140] : memref<16384x128xf32, #tpu.memory_space<hbm>> -> memref<128x128xf32, #tpu.memory_space<hbm>>
    %dma_start3A_142 = arith.constant 0 : i32
    %dma_start3A_143 = tpu.memref_slice %arg9[%add3A_139, %dma_start3A_142] : memref<16384x128xf32, #tpu.memory_space<hbm>> -> memref<128x128xf32, #tpu.memory_space<hbm>>
    tpu.enqueue_dma source(%arg12 : memref<128x128xf32, #tpu.memory_space<vmem>>) target(%dma_start3A_143 : memref<128x128xf32, #tpu.memory_space<hbm>>) target_semaphore(%arg20 : memref<!tpu.dma_semaphore, #tpu.memory_space<semaphore_mem>>)
    %dma_wait3A_144 = arith.constant 0 : i32
    %dma_wait3A_145 = tpu.memref_slice %arg9[%add3A_139, %dma_wait3A_144] : memref<16384x128xf32, #tpu.memory_space<hbm>> -> memref<128x128xf32, #tpu.memory_space<hbm>>
    %dma_wait3A_146 = arith.constant 0 : i32
    %dma_wait3A_147 = tpu.memref_slice %arg9[%add3A_139, %dma_wait3A_146] : memref<16384x128xf32, #tpu.memory_space<hbm>> -> memref<128x128xf32, #tpu.memory_space<hbm>>
    tpu.wait_dma2 semaphore(%arg20 : memref<!tpu.dma_semaphore, #tpu.memory_space<semaphore_mem>>) src(%arg12 : memref<128x128xf32, #tpu.memory_space<vmem>>) dst(%dma_wait3A_147 : memref<128x128xf32, #tpu.memory_space<hbm>>)
    %dma_start3A_148 = arith.constant 8 : i32
    %dma_start3A_149 = arith.constant 0 : i32
    %dma_start3A_150 = tpu.memref_slice %arg11[%dma_start3A_148, %dma_start3A_149] : memref<12x128xi32, #tpu.memory_space<vmem>> -> memref<1x128xi32, #tpu.memory_space<vmem>>
    %dma_start3A_151 = tpu.memref_squeeze %dma_start3A_150 : memref<1x128xi32, #tpu.memory_space<vmem>> -> memref<128xi32, #tpu.memory_space<vmem>>
    %dma_start3A_152 = arith.constant 0 : i32
    %dma_start3A_153 = arith.constant 0 : i32
    %dma_start3A_154 = tpu.memref_slice %arg7[%dma_start3A_152, %dma_start3A_153] : memref<1001x128xf32, #tpu.memory_space<hbm>> -> memref<1001x128xf32, #tpu.memory_space<hbm>>
    tpu.enqueue_indirect_dma source(%dma_start3A_154 : memref<1001x128xf32, #tpu.memory_space<hbm>>) target(%arg12 : memref<128x128xf32, #tpu.memory_space<vmem>>) offsets(%dma_start3A_151 : memref<128xi32, #tpu.memory_space<vmem>>) semaphore(%arg16 : memref<!tpu.dma_semaphore, #tpu.memory_space<semaphore_mem>>)
    %dma_wait3A_155 = arith.constant 5 : i32
    %dma_wait3A_156 = arith.constant 0 : i32
    %dma_wait3A_157 = tpu.memref_slice %arg11[%dma_wait3A_155, %dma_wait3A_156] : memref<12x128xi32, #tpu.memory_space<vmem>> -> memref<1x128xi32, #tpu.memory_space<vmem>>
    %dma_wait3A_158 = tpu.memref_squeeze %dma_wait3A_157 : memref<1x128xi32, #tpu.memory_space<vmem>> -> memref<128xi32, #tpu.memory_space<vmem>>
    %dma_wait3A_159 = arith.constant 0 : i32
    %dma_wait3A_160 = arith.constant 0 : i32
    %dma_wait3A_161 = tpu.memref_slice %arg6[%dma_wait3A_159, %dma_wait3A_160] : memref<1001x128xf32, #tpu.memory_space<hbm>> -> memref<1001x128xf32, #tpu.memory_space<hbm>>
    tpu.wait_indirect_dma semaphore(%arg17 : memref<!tpu.dma_semaphore, #tpu.memory_space<semaphore_mem>>) src(%dma_wait3A_161 : memref<1001x128xf32, #tpu.memory_space<hbm>>) dst(%arg13 : memref<128x128xf32, #tpu.memory_space<vmem>>)
    %add3A_162 = arith.constant 128 : i32
    %add3A_163 = arith.addi %mul3A_2, %add3A_162 : i32
    %dma_start3A_164 = arith.constant 0 : i32
    %dma_start3A_165 = tpu.memref_slice %arg9[%add3A_163, %dma_start3A_164] : memref<16384x128xf32, #tpu.memory_space<hbm>> -> memref<128x128xf32, #tpu.memory_space<hbm>>
    %dma_start3A_166 = arith.constant 0 : i32
    %dma_start3A_167 = tpu.memref_slice %arg9[%add3A_163, %dma_start3A_166] : memref<16384x128xf32, #tpu.memory_space<hbm>> -> memref<128x128xf32, #tpu.memory_space<hbm>>
    tpu.enqueue_dma source(%arg13 : memref<128x128xf32, #tpu.memory_space<vmem>>) target(%dma_start3A_167 : memref<128x128xf32, #tpu.memory_space<hbm>>) target_semaphore(%arg21 : memref<!tpu.dma_semaphore, #tpu.memory_space<semaphore_mem>>)
    %dma_wait3A_168 = arith.constant 0 : i32
    %dma_wait3A_169 = tpu.memref_slice %arg9[%add3A_163, %dma_wait3A_168] : memref<16384x128xf32, #tpu.memory_space<hbm>> -> memref<128x128xf32, #tpu.memory_space<hbm>>
    %dma_wait3A_170 = arith.constant 0 : i32
    %dma_wait3A_171 = tpu.memref_slice %arg9[%add3A_163, %dma_wait3A_170] : memref<16384x128xf32, #tpu.memory_space<hbm>> -> memref<128x128xf32, #tpu.memory_space<hbm>>
    tpu.wait_dma2 semaphore(%arg21 : memref<!tpu.dma_semaphore, #tpu.memory_space<semaphore_mem>>) src(%arg13 : memref<128x128xf32, #tpu.memory_space<vmem>>) dst(%dma_wait3A_171 : memref<128x128xf32, #tpu.memory_space<hbm>>)
    %dma_start3A_172 = arith.constant 9 : i32
    %dma_start3A_173 = arith.constant 0 : i32
    %dma_start3A_174 = tpu.memref_slice %arg11[%dma_start3A_172, %dma_start3A_173] : memref<12x128xi32, #tpu.memory_space<vmem>> -> memref<1x128xi32, #tpu.memory_space<vmem>>
    %dma_start3A_175 = tpu.memref_squeeze %dma_start3A_174 : memref<1x128xi32, #tpu.memory_space<vmem>> -> memref<128xi32, #tpu.memory_space<vmem>>
    %dma_start3A_176 = arith.constant 0 : i32
    %dma_start3A_177 = arith.constant 0 : i32
    %dma_start3A_178 = tpu.memref_slice %arg7[%dma_start3A_176, %dma_start3A_177] : memref<1001x128xf32, #tpu.memory_space<hbm>> -> memref<1001x128xf32, #tpu.memory_space<hbm>>
    tpu.enqueue_indirect_dma source(%dma_start3A_178 : memref<1001x128xf32, #tpu.memory_space<hbm>>) target(%arg13 : memref<128x128xf32, #tpu.memory_space<vmem>>) offsets(%dma_start3A_175 : memref<128xi32, #tpu.memory_space<vmem>>) semaphore(%arg17 : memref<!tpu.dma_semaphore, #tpu.memory_space<semaphore_mem>>)
    %dma_wait3A_179 = arith.constant 6 : i32
    %dma_wait3A_180 = arith.constant 0 : i32
    %dma_wait3A_181 = tpu.memref_slice %arg11[%dma_wait3A_179, %dma_wait3A_180] : memref<12x128xi32, #tpu.memory_space<vmem>> -> memref<1x128xi32, #tpu.memory_space<vmem>>
    %dma_wait3A_182 = tpu.memref_squeeze %dma_wait3A_181 : memref<1x128xi32, #tpu.memory_space<vmem>> -> memref<128xi32, #tpu.memory_space<vmem>>
    %dma_wait3A_183 = arith.constant 0 : i32
    %dma_wait3A_184 = arith.constant 0 : i32
    %dma_wait3A_185 = tpu.memref_slice %arg6[%dma_wait3A_183, %dma_wait3A_184] : memref<1001x128xf32, #tpu.memory_space<hbm>> -> memref<1001x128xf32, #tpu.memory_space<hbm>>
    tpu.wait_indirect_dma semaphore(%arg18 : memref<!tpu.dma_semaphore, #tpu.memory_space<semaphore_mem>>) src(%dma_wait3A_185 : memref<1001x128xf32, #tpu.memory_space<hbm>>) dst(%arg14 : memref<128x128xf32, #tpu.memory_space<vmem>>)
    %add3A_186 = arith.constant 256 : i32
    %add3A_187 = arith.addi %mul3A_2, %add3A_186 : i32
    %dma_start3A_188 = arith.constant 0 : i32
    %dma_start3A_189 = tpu.memref_slice %arg9[%add3A_187, %dma_start3A_188] : memref<16384x128xf32, #tpu.memory_space<hbm>> -> memref<128x128xf32, #tpu.memory_space<hbm>>
    %dma_start3A_190 = arith.constant 0 : i32
    %dma_start3A_191 = tpu.memref_slice %arg9[%add3A_187, %dma_start3A_190] : memref<16384x128xf32, #tpu.memory_space<hbm>> -> memref<128x128xf32, #tpu.memory_space<hbm>>
    tpu.enqueue_dma source(%arg14 : memref<128x128xf32, #tpu.memory_space<vmem>>) target(%dma_start3A_191 : memref<128x128xf32, #tpu.memory_space<hbm>>) target_semaphore(%arg22 : memref<!tpu.dma_semaphore, #tpu.memory_space<semaphore_mem>>)
    %dma_wait3A_192 = arith.constant 0 : i32
    %dma_wait3A_193 = tpu.memref_slice %arg9[%add3A_187, %dma_wait3A_192] : memref<16384x128xf32, #tpu.memory_space<hbm>> -> memref<128x128xf32, #tpu.memory_space<hbm>>
    %dma_wait3A_194 = arith.constant 0 : i32
    %dma_wait3A_195 = tpu.memref_slice %arg9[%add3A_187, %dma_wait3A_194] : memref<16384x128xf32, #tpu.memory_space<hbm>> -> memref<128x128xf32, #tpu.memory_space<hbm>>
    tpu.wait_dma2 semaphore(%arg22 : memref<!tpu.dma_semaphore, #tpu.memory_space<semaphore_mem>>) src(%arg14 : memref<128x128xf32, #tpu.memory_space<vmem>>) dst(%dma_wait3A_195 : memref<128x128xf32, #tpu.memory_space<hbm>>)
    %dma_start3A_196 = arith.constant 10 : i32
    %dma_start3A_197 = arith.constant 0 : i32
    %dma_start3A_198 = tpu.memref_slice %arg11[%dma_start3A_196, %dma_start3A_197] : memref<12x128xi32, #tpu.memory_space<vmem>> -> memref<1x128xi32, #tpu.memory_space<vmem>>
    %dma_start3A_199 = tpu.memref_squeeze %dma_start3A_198 : memref<1x128xi32, #tpu.memory_space<vmem>> -> memref<128xi32, #tpu.memory_space<vmem>>
    %dma_start3A_200 = arith.constant 0 : i32
    %dma_start3A_201 = arith.constant 0 : i32
    %dma_start3A_202 = tpu.memref_slice %arg7[%dma_start3A_200, %dma_start3A_201] : memref<1001x128xf32, #tpu.memory_space<hbm>> -> memref<1001x128xf32, #tpu.memory_space<hbm>>
    tpu.enqueue_indirect_dma source(%dma_start3A_202 : memref<1001x128xf32, #tpu.memory_space<hbm>>) target(%arg14 : memref<128x128xf32, #tpu.memory_space<vmem>>) offsets(%dma_start3A_199 : memref<128xi32, #tpu.memory_space<vmem>>) semaphore(%arg18 : memref<!tpu.dma_semaphore, #tpu.memory_space<semaphore_mem>>)
    %dma_wait3A_203 = arith.constant 7 : i32
    %dma_wait3A_204 = arith.constant 0 : i32
    %dma_wait3A_205 = tpu.memref_slice %arg11[%dma_wait3A_203, %dma_wait3A_204] : memref<12x128xi32, #tpu.memory_space<vmem>> -> memref<1x128xi32, #tpu.memory_space<vmem>>
    %dma_wait3A_206 = tpu.memref_squeeze %dma_wait3A_205 : memref<1x128xi32, #tpu.memory_space<vmem>> -> memref<128xi32, #tpu.memory_space<vmem>>
    %dma_wait3A_207 = arith.constant 0 : i32
    %dma_wait3A_208 = arith.constant 0 : i32
    %dma_wait3A_209 = tpu.memref_slice %arg6[%dma_wait3A_207, %dma_wait3A_208] : memref<1001x128xf32, #tpu.memory_space<hbm>> -> memref<1001x128xf32, #tpu.memory_space<hbm>>
    tpu.wait_indirect_dma semaphore(%arg19 : memref<!tpu.dma_semaphore, #tpu.memory_space<semaphore_mem>>) src(%dma_wait3A_209 : memref<1001x128xf32, #tpu.memory_space<hbm>>) dst(%arg15 : memref<128x128xf32, #tpu.memory_space<vmem>>)
    %add3A_210 = arith.constant 384 : i32
    %add3A_211 = arith.addi %mul3A_2, %add3A_210 : i32
    %dma_start3A_212 = arith.constant 0 : i32
    %dma_start3A_213 = tpu.memref_slice %arg9[%add3A_211, %dma_start3A_212] : memref<16384x128xf32, #tpu.memory_space<hbm>> -> memref<128x128xf32, #tpu.memory_space<hbm>>
    %dma_start3A_214 = arith.constant 0 : i32
    %dma_start3A_215 = tpu.memref_slice %arg9[%add3A_211, %dma_start3A_214] : memref<16384x128xf32, #tpu.memory_space<hbm>> -> memref<128x128xf32, #tpu.memory_space<hbm>>
    tpu.enqueue_dma source(%arg15 : memref<128x128xf32, #tpu.memory_space<vmem>>) target(%dma_start3A_215 : memref<128x128xf32, #tpu.memory_space<hbm>>) target_semaphore(%arg23 : memref<!tpu.dma_semaphore, #tpu.memory_space<semaphore_mem>>)
    %dma_wait3A_216 = arith.constant 0 : i32
    %dma_wait3A_217 = tpu.memref_slice %arg9[%add3A_211, %dma_wait3A_216] : memref<16384x128xf32, #tpu.memory_space<hbm>> -> memref<128x128xf32, #tpu.memory_space<hbm>>
    %dma_wait3A_218 = arith.constant 0 : i32
    %dma_wait3A_219 = tpu.memref_slice %arg9[%add3A_211, %dma_wait3A_218] : memref<16384x128xf32, #tpu.memory_space<hbm>> -> memref<128x128xf32, #tpu.memory_space<hbm>>
    tpu.wait_dma2 semaphore(%arg23 : memref<!tpu.dma_semaphore, #tpu.memory_space<semaphore_mem>>) src(%arg15 : memref<128x128xf32, #tpu.memory_space<vmem>>) dst(%dma_wait3A_219 : memref<128x128xf32, #tpu.memory_space<hbm>>)
    %dma_start3A_220 = arith.constant 11 : i32
    %dma_start3A_221 = arith.constant 0 : i32
    %dma_start3A_222 = tpu.memref_slice %arg11[%dma_start3A_220, %dma_start3A_221] : memref<12x128xi32, #tpu.memory_space<vmem>> -> memref<1x128xi32, #tpu.memory_space<vmem>>
    %dma_start3A_223 = tpu.memref_squeeze %dma_start3A_222 : memref<1x128xi32, #tpu.memory_space<vmem>> -> memref<128xi32, #tpu.memory_space<vmem>>
    %dma_start3A_224 = arith.constant 0 : i32
    %dma_start3A_225 = arith.constant 0 : i32
    %dma_start3A_226 = tpu.memref_slice %arg7[%dma_start3A_224, %dma_start3A_225] : memref<1001x128xf32, #tpu.memory_space<hbm>> -> memref<1001x128xf32, #tpu.memory_space<hbm>>
    tpu.enqueue_indirect_dma source(%dma_start3A_226 : memref<1001x128xf32, #tpu.memory_space<hbm>>) target(%arg15 : memref<128x128xf32, #tpu.memory_space<vmem>>) offsets(%dma_start3A_223 : memref<128xi32, #tpu.memory_space<vmem>>) semaphore(%arg19 : memref<!tpu.dma_semaphore, #tpu.memory_space<semaphore_mem>>)
    %dma_wait3A_227 = arith.constant 8 : i32
    %dma_wait3A_228 = arith.constant 0 : i32
    %dma_wait3A_229 = tpu.memref_slice %arg11[%dma_wait3A_227, %dma_wait3A_228] : memref<12x128xi32, #tpu.memory_space<vmem>> -> memref<1x128xi32, #tpu.memory_space<vmem>>
    %dma_wait3A_230 = tpu.memref_squeeze %dma_wait3A_229 : memref<1x128xi32, #tpu.memory_space<vmem>> -> memref<128xi32, #tpu.memory_space<vmem>>
    %dma_wait3A_231 = arith.constant 0 : i32
    %dma_wait3A_232 = arith.constant 0 : i32
    %dma_wait3A_233 = tpu.memref_slice %arg7[%dma_wait3A_231, %dma_wait3A_232] : memref<1001x128xf32, #tpu.memory_space<hbm>> -> memref<1001x128xf32, #tpu.memory_space<hbm>>
    tpu.wait_indirect_dma semaphore(%arg16 : memref<!tpu.dma_semaphore, #tpu.memory_space<semaphore_mem>>) src(%dma_wait3A_233 : memref<1001x128xf32, #tpu.memory_space<hbm>>) dst(%arg12 : memref<128x128xf32, #tpu.memory_space<vmem>>)
    %add3A_234 = arith.constant 0 : i32
    %add3A_235 = arith.addi %mul3A_2, %add3A_234 : i32
    %dma_start3A_236 = arith.constant 0 : i32
    %dma_start3A_237 = tpu.memref_slice %arg10[%add3A_235, %dma_start3A_236] : memref<16384x128xf32, #tpu.memory_space<hbm>> -> memref<128x128xf32, #tpu.memory_space<hbm>>
    %dma_start3A_238 = arith.constant 0 : i32
    %dma_start3A_239 = tpu.memref_slice %arg10[%add3A_235, %dma_start3A_238] : memref<16384x128xf32, #tpu.memory_space<hbm>> -> memref<128x128xf32, #tpu.memory_space<hbm>>
    tpu.enqueue_dma source(%arg12 : memref<128x128xf32, #tpu.memory_space<vmem>>) target(%dma_start3A_239 : memref<128x128xf32, #tpu.memory_space<hbm>>) target_semaphore(%arg20 : memref<!tpu.dma_semaphore, #tpu.memory_space<semaphore_mem>>)
    %dma_wait3A_240 = arith.constant 9 : i32
    %dma_wait3A_241 = arith.constant 0 : i32
    %dma_wait3A_242 = tpu.memref_slice %arg11[%dma_wait3A_240, %dma_wait3A_241] : memref<12x128xi32, #tpu.memory_space<vmem>> -> memref<1x128xi32, #tpu.memory_space<vmem>>
    %dma_wait3A_243 = tpu.memref_squeeze %dma_wait3A_242 : memref<1x128xi32, #tpu.memory_space<vmem>> -> memref<128xi32, #tpu.memory_space<vmem>>
    %dma_wait3A_244 = arith.constant 0 : i32
    %dma_wait3A_245 = arith.constant 0 : i32
    %dma_wait3A_246 = tpu.memref_slice %arg7[%dma_wait3A_244, %dma_wait3A_245] : memref<1001x128xf32, #tpu.memory_space<hbm>> -> memref<1001x128xf32, #tpu.memory_space<hbm>>
    tpu.wait_indirect_dma semaphore(%arg17 : memref<!tpu.dma_semaphore, #tpu.memory_space<semaphore_mem>>) src(%dma_wait3A_246 : memref<1001x128xf32, #tpu.memory_space<hbm>>) dst(%arg13 : memref<128x128xf32, #tpu.memory_space<vmem>>)
    %add3A_247 = arith.constant 128 : i32
    %add3A_248 = arith.addi %mul3A_2, %add3A_247 : i32
    %dma_start3A_249 = arith.constant 0 : i32
    %dma_start3A_250 = tpu.memref_slice %arg10[%add3A_248, %dma_start3A_249] : memref<16384x128xf32, #tpu.memory_space<hbm>> -> memref<128x128xf32, #tpu.memory_space<hbm>>
    %dma_start3A_251 = arith.constant 0 : i32
    %dma_start3A_252 = tpu.memref_slice %arg10[%add3A_248, %dma_start3A_251] : memref<16384x128xf32, #tpu.memory_space<hbm>> -> memref<128x128xf32, #tpu.memory_space<hbm>>
    tpu.enqueue_dma source(%arg13 : memref<128x128xf32, #tpu.memory_space<vmem>>) target(%dma_start3A_252 : memref<128x128xf32, #tpu.memory_space<hbm>>) target_semaphore(%arg21 : memref<!tpu.dma_semaphore, #tpu.memory_space<semaphore_mem>>)
    %dma_wait3A_253 = arith.constant 10 : i32
    %dma_wait3A_254 = arith.constant 0 : i32
    %dma_wait3A_255 = tpu.memref_slice %arg11[%dma_wait3A_253, %dma_wait3A_254] : memref<12x128xi32, #tpu.memory_space<vmem>> -> memref<1x128xi32, #tpu.memory_space<vmem>>
    %dma_wait3A_256 = tpu.memref_squeeze %dma_wait3A_255 : memref<1x128xi32, #tpu.memory_space<vmem>> -> memref<128xi32, #tpu.memory_space<vmem>>
    %dma_wait3A_257 = arith.constant 0 : i32
    %dma_wait3A_258 = arith.constant 0 : i32
    %dma_wait3A_259 = tpu.memref_slice %arg7[%dma_wait3A_257, %dma_wait3A_258] : memref<1001x128xf32, #tpu.memory_space<hbm>> -> memref<1001x128xf32, #tpu.memory_space<hbm>>
    tpu.wait_indirect_dma semaphore(%arg18 : memref<!tpu.dma_semaphore, #tpu.memory_space<semaphore_mem>>) src(%dma_wait3A_259 : memref<1001x128xf32, #tpu.memory_space<hbm>>) dst(%arg14 : memref<128x128xf32, #tpu.memory_space<vmem>>)
    %add3A_260 = arith.constant 256 : i32
    %add3A_261 = arith.addi %mul3A_2, %add3A_260 : i32
    %dma_start3A_262 = arith.constant 0 : i32
    %dma_start3A_263 = tpu.memref_slice %arg10[%add3A_261, %dma_start3A_262] : memref<16384x128xf32, #tpu.memory_space<hbm>> -> memref<128x128xf32, #tpu.memory_space<hbm>>
    %dma_start3A_264 = arith.constant 0 : i32
    %dma_start3A_265 = tpu.memref_slice %arg10[%add3A_261, %dma_start3A_264] : memref<16384x128xf32, #tpu.memory_space<hbm>> -> memref<128x128xf32, #tpu.memory_space<hbm>>
    tpu.enqueue_dma source(%arg14 : memref<128x128xf32, #tpu.memory_space<vmem>>) target(%dma_start3A_265 : memref<128x128xf32, #tpu.memory_space<hbm>>) target_semaphore(%arg22 : memref<!tpu.dma_semaphore, #tpu.memory_space<semaphore_mem>>)
    %dma_wait3A_266 = arith.constant 11 : i32
    %dma_wait3A_267 = arith.constant 0 : i32
    %dma_wait3A_268 = tpu.memref_slice %arg11[%dma_wait3A_266, %dma_wait3A_267] : memref<12x128xi32, #tpu.memory_space<vmem>> -> memref<1x128xi32, #tpu.memory_space<vmem>>
    %dma_wait3A_269 = tpu.memref_squeeze %dma_wait3A_268 : memref<1x128xi32, #tpu.memory_space<vmem>> -> memref<128xi32, #tpu.memory_space<vmem>>
    %dma_wait3A_270 = arith.constant 0 : i32
    %dma_wait3A_271 = arith.constant 0 : i32
    %dma_wait3A_272 = tpu.memref_slice %arg7[%dma_wait3A_270, %dma_wait3A_271] : memref<1001x128xf32, #tpu.memory_space<hbm>> -> memref<1001x128xf32, #tpu.memory_space<hbm>>
    tpu.wait_indirect_dma semaphore(%arg19 : memref<!tpu.dma_semaphore, #tpu.memory_space<semaphore_mem>>) src(%dma_wait3A_272 : memref<1001x128xf32, #tpu.memory_space<hbm>>) dst(%arg15 : memref<128x128xf32, #tpu.memory_space<vmem>>)
    %add3A_273 = arith.constant 384 : i32
    %add3A_274 = arith.addi %mul3A_2, %add3A_273 : i32
    %dma_start3A_275 = arith.constant 0 : i32
    %dma_start3A_276 = tpu.memref_slice %arg10[%add3A_274, %dma_start3A_275] : memref<16384x128xf32, #tpu.memory_space<hbm>> -> memref<128x128xf32, #tpu.memory_space<hbm>>
    %dma_start3A_277 = arith.constant 0 : i32
    %dma_start3A_278 = tpu.memref_slice %arg10[%add3A_274, %dma_start3A_277] : memref<16384x128xf32, #tpu.memory_space<hbm>> -> memref<128x128xf32, #tpu.memory_space<hbm>>
    tpu.enqueue_dma source(%arg15 : memref<128x128xf32, #tpu.memory_space<vmem>>) target(%dma_start3A_278 : memref<128x128xf32, #tpu.memory_space<hbm>>) target_semaphore(%arg23 : memref<!tpu.dma_semaphore, #tpu.memory_space<semaphore_mem>>)
    %dma_wait3A_279 = arith.constant 0 : i32
    %dma_wait3A_280 = tpu.memref_slice %arg10[%add3A_235, %dma_wait3A_279] : memref<16384x128xf32, #tpu.memory_space<hbm>> -> memref<128x128xf32, #tpu.memory_space<hbm>>
    %dma_wait3A_281 = arith.constant 0 : i32
    %dma_wait3A_282 = tpu.memref_slice %arg10[%add3A_235, %dma_wait3A_281] : memref<16384x128xf32, #tpu.memory_space<hbm>> -> memref<128x128xf32, #tpu.memory_space<hbm>>
    tpu.wait_dma2 semaphore(%arg20 : memref<!tpu.dma_semaphore, #tpu.memory_space<semaphore_mem>>) src(%arg12 : memref<128x128xf32, #tpu.memory_space<vmem>>) dst(%dma_wait3A_282 : memref<128x128xf32, #tpu.memory_space<hbm>>)
    %dma_wait3A_283 = arith.constant 0 : i32
    %dma_wait3A_284 = tpu.memref_slice %arg10[%add3A_248, %dma_wait3A_283] : memref<16384x128xf32, #tpu.memory_space<hbm>> -> memref<128x128xf32, #tpu.memory_space<hbm>>
    %dma_wait3A_285 = arith.constant 0 : i32
    %dma_wait3A_286 = tpu.memref_slice %arg10[%add3A_248, %dma_wait3A_285] : memref<16384x128xf32, #tpu.memory_space<hbm>> -> memref<128x128xf32, #tpu.memory_space<hbm>>
    tpu.wait_dma2 semaphore(%arg21 : memref<!tpu.dma_semaphore, #tpu.memory_space<semaphore_mem>>) src(%arg13 : memref<128x128xf32, #tpu.memory_space<vmem>>) dst(%dma_wait3A_286 : memref<128x128xf32, #tpu.memory_space<hbm>>)
    %dma_wait3A_287 = arith.constant 0 : i32
    %dma_wait3A_288 = tpu.memref_slice %arg10[%add3A_261, %dma_wait3A_287] : memref<16384x128xf32, #tpu.memory_space<hbm>> -> memref<128x128xf32, #tpu.memory_space<hbm>>
    %dma_wait3A_289 = arith.constant 0 : i32
    %dma_wait3A_290 = tpu.memref_slice %arg10[%add3A_261, %dma_wait3A_289] : memref<16384x128xf32, #tpu.memory_space<hbm>> -> memref<128x128xf32, #tpu.memory_space<hbm>>
    tpu.wait_dma2 semaphore(%arg22 : memref<!tpu.dma_semaphore, #tpu.memory_space<semaphore_mem>>) src(%arg14 : memref<128x128xf32, #tpu.memory_space<vmem>>) dst(%dma_wait3A_290 : memref<128x128xf32, #tpu.memory_space<hbm>>)
    %dma_wait3A_291 = arith.constant 0 : i32
    %dma_wait3A_292 = tpu.memref_slice %arg10[%add3A_274, %dma_wait3A_291] : memref<16384x128xf32, #tpu.memory_space<hbm>> -> memref<128x128xf32, #tpu.memory_space<hbm>>
    %dma_wait3A_293 = arith.constant 0 : i32
    %dma_wait3A_294 = tpu.memref_slice %arg10[%add3A_274, %dma_wait3A_293] : memref<16384x128xf32, #tpu.memory_space<hbm>> -> memref<128x128xf32, #tpu.memory_space<hbm>>
    tpu.wait_dma2 semaphore(%arg23 : memref<!tpu.dma_semaphore, #tpu.memory_space<semaphore_mem>>) src(%arg15 : memref<128x128xf32, #tpu.memory_space<vmem>>) dst(%dma_wait3A_294 : memref<128x128xf32, #tpu.memory_space<hbm>>)
    return
  }
}

#map = affine_map<(d0, d1) -> (0, 0)>
module attributes {stable_mosaic.version = 14 : i64} {
  func.func @body(%arg0: i32, %arg1: i32, %arg2: memref<128x128xi32, #tpu.memory_space<hbm>>, %arg3: memref<25000x128xf32, #tpu.memory_space<hbm>>, %arg4: memref<16384x128xf32, #tpu.memory_space<hbm>>, %arg5: memref<4x128xi32, #tpu.memory_space<vmem>>, %arg6: memref<128x128xf32, #tpu.memory_space<vmem>>, %arg7: memref<128x128xf32, #tpu.memory_space<vmem>>, %arg8: memref<128x128xf32, #tpu.memory_space<vmem>>, %arg9: memref<128x128xf32, #tpu.memory_space<vmem>>, %arg10: memref<!tpu.dma_semaphore, #tpu.memory_space<semaphore_mem>>, %arg11: memref<!tpu.dma_semaphore, #tpu.memory_space<semaphore_mem>>, %arg12: memref<!tpu.dma_semaphore, #tpu.memory_space<semaphore_mem>>, %arg13: memref<!tpu.dma_semaphore, #tpu.memory_space<semaphore_mem>>, %arg14: memref<!tpu.dma_semaphore, #tpu.memory_space<semaphore_mem>>, %arg15: memref<!tpu.dma_semaphore, #tpu.memory_space<semaphore_mem>>, %arg16: memref<!tpu.dma_semaphore, #tpu.memory_space<semaphore_mem>>, %arg17: memref<!tpu.dma_semaphore, #tpu.memory_space<semaphore_mem>>) attributes {dimension_semantics = [#tpu.dimension_semantics<core_parallel>, #tpu.dimension_semantics<subcore_parallel>], iteration_bounds = array<i64: 2, 16>, scalar_prefetch = 0 : i64, scratch_operands = 13 : i64, tpu.core_type = #tpu.core_type<sc_vector_subcore>, window_params = [{transform_indices = #map}, {transform_indices = #map}, {transform_indices = #map}]} {
    %mul3A = arith.constant 2 : i32
    %mul3A_0 = arith.muli %arg1, %mul3A : i32
    %add3A = arith.addi %mul3A_0, %arg0 : i32
    %mul3A_1 = arith.constant 512 : i32
    %mul3A_2 = arith.muli %add3A, %mul3A_1 : i32
    %mul3A_3 = arith.constant 4 : i32
    %mul3A_4 = arith.muli %add3A, %mul3A_3 : i32
    "tpu.region"() ({
      %run_scoped3A = tpu.sem_alloc : memref<!tpu.dma_semaphore, #tpu.memory_space<semaphore_mem>>
      %dma_start3A_99 = arith.constant 0 : i32
      %dma_start3A_100 = arith.constant 0 : i32
      %dma_start3A_101 = tpu.memref_slice %arg5[%dma_start3A_99, %dma_start3A_100] : memref<4x128xi32, #tpu.memory_space<vmem>> -> memref<4x128xi32, #tpu.memory_space<vmem>>
      %dma_start3A_102 = arith.constant 0 : i32
      %dma_start3A_103 = tpu.memref_slice %arg2[%mul3A_4, %dma_start3A_102] : memref<128x128xi32, #tpu.memory_space<hbm>> -> memref<4x128xi32, #tpu.memory_space<hbm>>
      %dma_start3A_104 = arith.constant 0 : i32
      %dma_start3A_105 = arith.constant 0 : i32
      %dma_start3A_106 = tpu.memref_slice %arg5[%dma_start3A_104, %dma_start3A_105] : memref<4x128xi32, #tpu.memory_space<vmem>> -> memref<4x128xi32, #tpu.memory_space<vmem>>
      %dma_start3A_107 = arith.constant 0 : i32
      %dma_start3A_108 = tpu.memref_slice %arg2[%mul3A_4, %dma_start3A_107] : memref<128x128xi32, #tpu.memory_space<hbm>> -> memref<4x128xi32, #tpu.memory_space<hbm>>
      tpu.enqueue_dma source(%dma_start3A_108 : memref<4x128xi32, #tpu.memory_space<hbm>>) target(%dma_start3A_106 : memref<4x128xi32, #tpu.memory_space<vmem>>) target_semaphore(%run_scoped3A : memref<!tpu.dma_semaphore, #tpu.memory_space<semaphore_mem>>)
      %dma_wait3A_109 = arith.constant 0 : i32
      %dma_wait3A_110 = arith.constant 0 : i32
      %dma_wait3A_111 = tpu.memref_slice %arg5[%dma_wait3A_109, %dma_wait3A_110] : memref<4x128xi32, #tpu.memory_space<vmem>> -> memref<4x128xi32, #tpu.memory_space<vmem>>
      %dma_wait3A_112 = arith.constant 0 : i32
      %dma_wait3A_113 = tpu.memref_slice %arg2[%mul3A_4, %dma_wait3A_112] : memref<128x128xi32, #tpu.memory_space<hbm>> -> memref<4x128xi32, #tpu.memory_space<hbm>>
      %dma_wait3A_114 = arith.constant 0 : i32
      %dma_wait3A_115 = arith.constant 0 : i32
      %dma_wait3A_116 = tpu.memref_slice %arg5[%dma_wait3A_114, %dma_wait3A_115] : memref<4x128xi32, #tpu.memory_space<vmem>> -> memref<4x128xi32, #tpu.memory_space<vmem>>
      %dma_wait3A_117 = arith.constant 0 : i32
      %dma_wait3A_118 = tpu.memref_slice %arg2[%mul3A_4, %dma_wait3A_117] : memref<128x128xi32, #tpu.memory_space<hbm>> -> memref<4x128xi32, #tpu.memory_space<hbm>>
      tpu.wait_dma2 semaphore(%run_scoped3A : memref<!tpu.dma_semaphore, #tpu.memory_space<semaphore_mem>>) src(%dma_wait3A_118 : memref<4x128xi32, #tpu.memory_space<hbm>>) dst(%dma_wait3A_116 : memref<4x128xi32, #tpu.memory_space<vmem>>)
      tpu.yield
    }) : () -> ()
    %dma_start3A = arith.constant 0 : i32
    %dma_start3A_5 = arith.constant 0 : i32
    %dma_start3A_6 = tpu.memref_slice %arg5[%dma_start3A, %dma_start3A_5] : memref<4x128xi32, #tpu.memory_space<vmem>> -> memref<1x128xi32, #tpu.memory_space<vmem>>
    %dma_start3A_7 = tpu.memref_squeeze %dma_start3A_6 : memref<1x128xi32, #tpu.memory_space<vmem>> -> memref<128xi32, #tpu.memory_space<vmem>>
    %dma_start3A_8 = arith.constant 0 : i32
    %dma_start3A_9 = arith.constant 0 : i32
    %dma_start3A_10 = tpu.memref_slice %arg3[%dma_start3A_8, %dma_start3A_9] : memref<25000x128xf32, #tpu.memory_space<hbm>> -> memref<25000x128xf32, #tpu.memory_space<hbm>>
    tpu.enqueue_indirect_dma source(%dma_start3A_10 : memref<25000x128xf32, #tpu.memory_space<hbm>>) target(%arg6 : memref<128x128xf32, #tpu.memory_space<vmem>>) offsets(%dma_start3A_7 : memref<128xi32, #tpu.memory_space<vmem>>) semaphore(%arg10 : memref<!tpu.dma_semaphore, #tpu.memory_space<semaphore_mem>>)
    %dma_start3A_11 = arith.constant 1 : i32
    %dma_start3A_12 = arith.constant 0 : i32
    %dma_start3A_13 = tpu.memref_slice %arg5[%dma_start3A_11, %dma_start3A_12] : memref<4x128xi32, #tpu.memory_space<vmem>> -> memref<1x128xi32, #tpu.memory_space<vmem>>
    %dma_start3A_14 = tpu.memref_squeeze %dma_start3A_13 : memref<1x128xi32, #tpu.memory_space<vmem>> -> memref<128xi32, #tpu.memory_space<vmem>>
    %dma_start3A_15 = arith.constant 0 : i32
    %dma_start3A_16 = arith.constant 0 : i32
    %dma_start3A_17 = tpu.memref_slice %arg3[%dma_start3A_15, %dma_start3A_16] : memref<25000x128xf32, #tpu.memory_space<hbm>> -> memref<25000x128xf32, #tpu.memory_space<hbm>>
    tpu.enqueue_indirect_dma source(%dma_start3A_17 : memref<25000x128xf32, #tpu.memory_space<hbm>>) target(%arg7 : memref<128x128xf32, #tpu.memory_space<vmem>>) offsets(%dma_start3A_14 : memref<128xi32, #tpu.memory_space<vmem>>) semaphore(%arg11 : memref<!tpu.dma_semaphore, #tpu.memory_space<semaphore_mem>>)
    %dma_start3A_18 = arith.constant 2 : i32
    %dma_start3A_19 = arith.constant 0 : i32
    %dma_start3A_20 = tpu.memref_slice %arg5[%dma_start3A_18, %dma_start3A_19] : memref<4x128xi32, #tpu.memory_space<vmem>> -> memref<1x128xi32, #tpu.memory_space<vmem>>
    %dma_start3A_21 = tpu.memref_squeeze %dma_start3A_20 : memref<1x128xi32, #tpu.memory_space<vmem>> -> memref<128xi32, #tpu.memory_space<vmem>>
    %dma_start3A_22 = arith.constant 0 : i32
    %dma_start3A_23 = arith.constant 0 : i32
    %dma_start3A_24 = tpu.memref_slice %arg3[%dma_start3A_22, %dma_start3A_23] : memref<25000x128xf32, #tpu.memory_space<hbm>> -> memref<25000x128xf32, #tpu.memory_space<hbm>>
    tpu.enqueue_indirect_dma source(%dma_start3A_24 : memref<25000x128xf32, #tpu.memory_space<hbm>>) target(%arg8 : memref<128x128xf32, #tpu.memory_space<vmem>>) offsets(%dma_start3A_21 : memref<128xi32, #tpu.memory_space<vmem>>) semaphore(%arg12 : memref<!tpu.dma_semaphore, #tpu.memory_space<semaphore_mem>>)
    %dma_start3A_25 = arith.constant 3 : i32
    %dma_start3A_26 = arith.constant 0 : i32
    %dma_start3A_27 = tpu.memref_slice %arg5[%dma_start3A_25, %dma_start3A_26] : memref<4x128xi32, #tpu.memory_space<vmem>> -> memref<1x128xi32, #tpu.memory_space<vmem>>
    %dma_start3A_28 = tpu.memref_squeeze %dma_start3A_27 : memref<1x128xi32, #tpu.memory_space<vmem>> -> memref<128xi32, #tpu.memory_space<vmem>>
    %dma_start3A_29 = arith.constant 0 : i32
    %dma_start3A_30 = arith.constant 0 : i32
    %dma_start3A_31 = tpu.memref_slice %arg3[%dma_start3A_29, %dma_start3A_30] : memref<25000x128xf32, #tpu.memory_space<hbm>> -> memref<25000x128xf32, #tpu.memory_space<hbm>>
    tpu.enqueue_indirect_dma source(%dma_start3A_31 : memref<25000x128xf32, #tpu.memory_space<hbm>>) target(%arg9 : memref<128x128xf32, #tpu.memory_space<vmem>>) offsets(%dma_start3A_28 : memref<128xi32, #tpu.memory_space<vmem>>) semaphore(%arg13 : memref<!tpu.dma_semaphore, #tpu.memory_space<semaphore_mem>>)
    %dma_wait3A = arith.constant 0 : i32
    %dma_wait3A_32 = arith.constant 0 : i32
    %dma_wait3A_33 = tpu.memref_slice %arg5[%dma_wait3A, %dma_wait3A_32] : memref<4x128xi32, #tpu.memory_space<vmem>> -> memref<1x128xi32, #tpu.memory_space<vmem>>
    %dma_wait3A_34 = tpu.memref_squeeze %dma_wait3A_33 : memref<1x128xi32, #tpu.memory_space<vmem>> -> memref<128xi32, #tpu.memory_space<vmem>>
    %dma_wait3A_35 = arith.constant 0 : i32
    %dma_wait3A_36 = arith.constant 0 : i32
    %dma_wait3A_37 = tpu.memref_slice %arg3[%dma_wait3A_35, %dma_wait3A_36] : memref<25000x128xf32, #tpu.memory_space<hbm>> -> memref<25000x128xf32, #tpu.memory_space<hbm>>
    tpu.wait_indirect_dma semaphore(%arg10 : memref<!tpu.dma_semaphore, #tpu.memory_space<semaphore_mem>>) src(%dma_wait3A_37 : memref<25000x128xf32, #tpu.memory_space<hbm>>) dst(%arg6 : memref<128x128xf32, #tpu.memory_space<vmem>>)
    %add3A_38 = arith.constant 0 : i32
    %add3A_39 = arith.addi %mul3A_2, %add3A_38 : i32
    %dma_start3A_40 = arith.constant 0 : i32
    %dma_start3A_41 = tpu.memref_slice %arg4[%add3A_39, %dma_start3A_40] : memref<16384x128xf32, #tpu.memory_space<hbm>> -> memref<128x128xf32, #tpu.memory_space<hbm>>
    %dma_start3A_42 = arith.constant 0 : i32
    %dma_start3A_43 = tpu.memref_slice %arg4[%add3A_39, %dma_start3A_42] : memref<16384x128xf32, #tpu.memory_space<hbm>> -> memref<128x128xf32, #tpu.memory_space<hbm>>
    tpu.enqueue_dma source(%arg6 : memref<128x128xf32, #tpu.memory_space<vmem>>) target(%dma_start3A_43 : memref<128x128xf32, #tpu.memory_space<hbm>>) target_semaphore(%arg14 : memref<!tpu.dma_semaphore, #tpu.memory_space<semaphore_mem>>)
    %dma_wait3A_44 = arith.constant 1 : i32
    %dma_wait3A_45 = arith.constant 0 : i32
    %dma_wait3A_46 = tpu.memref_slice %arg5[%dma_wait3A_44, %dma_wait3A_45] : memref<4x128xi32, #tpu.memory_space<vmem>> -> memref<1x128xi32, #tpu.memory_space<vmem>>
    %dma_wait3A_47 = tpu.memref_squeeze %dma_wait3A_46 : memref<1x128xi32, #tpu.memory_space<vmem>> -> memref<128xi32, #tpu.memory_space<vmem>>
    %dma_wait3A_48 = arith.constant 0 : i32
    %dma_wait3A_49 = arith.constant 0 : i32
    %dma_wait3A_50 = tpu.memref_slice %arg3[%dma_wait3A_48, %dma_wait3A_49] : memref<25000x128xf32, #tpu.memory_space<hbm>> -> memref<25000x128xf32, #tpu.memory_space<hbm>>
    tpu.wait_indirect_dma semaphore(%arg11 : memref<!tpu.dma_semaphore, #tpu.memory_space<semaphore_mem>>) src(%dma_wait3A_50 : memref<25000x128xf32, #tpu.memory_space<hbm>>) dst(%arg7 : memref<128x128xf32, #tpu.memory_space<vmem>>)
    %add3A_51 = arith.constant 128 : i32
    %add3A_52 = arith.addi %mul3A_2, %add3A_51 : i32
    %dma_start3A_53 = arith.constant 0 : i32
    %dma_start3A_54 = tpu.memref_slice %arg4[%add3A_52, %dma_start3A_53] : memref<16384x128xf32, #tpu.memory_space<hbm>> -> memref<128x128xf32, #tpu.memory_space<hbm>>
    %dma_start3A_55 = arith.constant 0 : i32
    %dma_start3A_56 = tpu.memref_slice %arg4[%add3A_52, %dma_start3A_55] : memref<16384x128xf32, #tpu.memory_space<hbm>> -> memref<128x128xf32, #tpu.memory_space<hbm>>
    tpu.enqueue_dma source(%arg7 : memref<128x128xf32, #tpu.memory_space<vmem>>) target(%dma_start3A_56 : memref<128x128xf32, #tpu.memory_space<hbm>>) target_semaphore(%arg15 : memref<!tpu.dma_semaphore, #tpu.memory_space<semaphore_mem>>)
    %dma_wait3A_57 = arith.constant 2 : i32
    %dma_wait3A_58 = arith.constant 0 : i32
    %dma_wait3A_59 = tpu.memref_slice %arg5[%dma_wait3A_57, %dma_wait3A_58] : memref<4x128xi32, #tpu.memory_space<vmem>> -> memref<1x128xi32, #tpu.memory_space<vmem>>
    %dma_wait3A_60 = tpu.memref_squeeze %dma_wait3A_59 : memref<1x128xi32, #tpu.memory_space<vmem>> -> memref<128xi32, #tpu.memory_space<vmem>>
    %dma_wait3A_61 = arith.constant 0 : i32
    %dma_wait3A_62 = arith.constant 0 : i32
    %dma_wait3A_63 = tpu.memref_slice %arg3[%dma_wait3A_61, %dma_wait3A_62] : memref<25000x128xf32, #tpu.memory_space<hbm>> -> memref<25000x128xf32, #tpu.memory_space<hbm>>
    tpu.wait_indirect_dma semaphore(%arg12 : memref<!tpu.dma_semaphore, #tpu.memory_space<semaphore_mem>>) src(%dma_wait3A_63 : memref<25000x128xf32, #tpu.memory_space<hbm>>) dst(%arg8 : memref<128x128xf32, #tpu.memory_space<vmem>>)
    %add3A_64 = arith.constant 256 : i32
    %add3A_65 = arith.addi %mul3A_2, %add3A_64 : i32
    %dma_start3A_66 = arith.constant 0 : i32
    %dma_start3A_67 = tpu.memref_slice %arg4[%add3A_65, %dma_start3A_66] : memref<16384x128xf32, #tpu.memory_space<hbm>> -> memref<128x128xf32, #tpu.memory_space<hbm>>
    %dma_start3A_68 = arith.constant 0 : i32
    %dma_start3A_69 = tpu.memref_slice %arg4[%add3A_65, %dma_start3A_68] : memref<16384x128xf32, #tpu.memory_space<hbm>> -> memref<128x128xf32, #tpu.memory_space<hbm>>
    tpu.enqueue_dma source(%arg8 : memref<128x128xf32, #tpu.memory_space<vmem>>) target(%dma_start3A_69 : memref<128x128xf32, #tpu.memory_space<hbm>>) target_semaphore(%arg16 : memref<!tpu.dma_semaphore, #tpu.memory_space<semaphore_mem>>)
    %dma_wait3A_70 = arith.constant 3 : i32
    %dma_wait3A_71 = arith.constant 0 : i32
    %dma_wait3A_72 = tpu.memref_slice %arg5[%dma_wait3A_70, %dma_wait3A_71] : memref<4x128xi32, #tpu.memory_space<vmem>> -> memref<1x128xi32, #tpu.memory_space<vmem>>
    %dma_wait3A_73 = tpu.memref_squeeze %dma_wait3A_72 : memref<1x128xi32, #tpu.memory_space<vmem>> -> memref<128xi32, #tpu.memory_space<vmem>>
    %dma_wait3A_74 = arith.constant 0 : i32
    %dma_wait3A_75 = arith.constant 0 : i32
    %dma_wait3A_76 = tpu.memref_slice %arg3[%dma_wait3A_74, %dma_wait3A_75] : memref<25000x128xf32, #tpu.memory_space<hbm>> -> memref<25000x128xf32, #tpu.memory_space<hbm>>
    tpu.wait_indirect_dma semaphore(%arg13 : memref<!tpu.dma_semaphore, #tpu.memory_space<semaphore_mem>>) src(%dma_wait3A_76 : memref<25000x128xf32, #tpu.memory_space<hbm>>) dst(%arg9 : memref<128x128xf32, #tpu.memory_space<vmem>>)
    %add3A_77 = arith.constant 384 : i32
    %add3A_78 = arith.addi %mul3A_2, %add3A_77 : i32
    %dma_start3A_79 = arith.constant 0 : i32
    %dma_start3A_80 = tpu.memref_slice %arg4[%add3A_78, %dma_start3A_79] : memref<16384x128xf32, #tpu.memory_space<hbm>> -> memref<128x128xf32, #tpu.memory_space<hbm>>
    %dma_start3A_81 = arith.constant 0 : i32
    %dma_start3A_82 = tpu.memref_slice %arg4[%add3A_78, %dma_start3A_81] : memref<16384x128xf32, #tpu.memory_space<hbm>> -> memref<128x128xf32, #tpu.memory_space<hbm>>
    tpu.enqueue_dma source(%arg9 : memref<128x128xf32, #tpu.memory_space<vmem>>) target(%dma_start3A_82 : memref<128x128xf32, #tpu.memory_space<hbm>>) target_semaphore(%arg17 : memref<!tpu.dma_semaphore, #tpu.memory_space<semaphore_mem>>)
    %dma_wait3A_83 = arith.constant 0 : i32
    %dma_wait3A_84 = tpu.memref_slice %arg4[%add3A_39, %dma_wait3A_83] : memref<16384x128xf32, #tpu.memory_space<hbm>> -> memref<128x128xf32, #tpu.memory_space<hbm>>
    %dma_wait3A_85 = arith.constant 0 : i32
    %dma_wait3A_86 = tpu.memref_slice %arg4[%add3A_39, %dma_wait3A_85] : memref<16384x128xf32, #tpu.memory_space<hbm>> -> memref<128x128xf32, #tpu.memory_space<hbm>>
    tpu.wait_dma2 semaphore(%arg14 : memref<!tpu.dma_semaphore, #tpu.memory_space<semaphore_mem>>) src(%arg6 : memref<128x128xf32, #tpu.memory_space<vmem>>) dst(%dma_wait3A_86 : memref<128x128xf32, #tpu.memory_space<hbm>>)
    %dma_wait3A_87 = arith.constant 0 : i32
    %dma_wait3A_88 = tpu.memref_slice %arg4[%add3A_52, %dma_wait3A_87] : memref<16384x128xf32, #tpu.memory_space<hbm>> -> memref<128x128xf32, #tpu.memory_space<hbm>>
    %dma_wait3A_89 = arith.constant 0 : i32
    %dma_wait3A_90 = tpu.memref_slice %arg4[%add3A_52, %dma_wait3A_89] : memref<16384x128xf32, #tpu.memory_space<hbm>> -> memref<128x128xf32, #tpu.memory_space<hbm>>
    tpu.wait_dma2 semaphore(%arg15 : memref<!tpu.dma_semaphore, #tpu.memory_space<semaphore_mem>>) src(%arg7 : memref<128x128xf32, #tpu.memory_space<vmem>>) dst(%dma_wait3A_90 : memref<128x128xf32, #tpu.memory_space<hbm>>)
    %dma_wait3A_91 = arith.constant 0 : i32
    %dma_wait3A_92 = tpu.memref_slice %arg4[%add3A_65, %dma_wait3A_91] : memref<16384x128xf32, #tpu.memory_space<hbm>> -> memref<128x128xf32, #tpu.memory_space<hbm>>
    %dma_wait3A_93 = arith.constant 0 : i32
    %dma_wait3A_94 = tpu.memref_slice %arg4[%add3A_65, %dma_wait3A_93] : memref<16384x128xf32, #tpu.memory_space<hbm>> -> memref<128x128xf32, #tpu.memory_space<hbm>>
    tpu.wait_dma2 semaphore(%arg16 : memref<!tpu.dma_semaphore, #tpu.memory_space<semaphore_mem>>) src(%arg8 : memref<128x128xf32, #tpu.memory_space<vmem>>) dst(%dma_wait3A_94 : memref<128x128xf32, #tpu.memory_space<hbm>>)
    %dma_wait3A_95 = arith.constant 0 : i32
    %dma_wait3A_96 = tpu.memref_slice %arg4[%add3A_78, %dma_wait3A_95] : memref<16384x128xf32, #tpu.memory_space<hbm>> -> memref<128x128xf32, #tpu.memory_space<hbm>>
    %dma_wait3A_97 = arith.constant 0 : i32
    %dma_wait3A_98 = tpu.memref_slice %arg4[%add3A_78, %dma_wait3A_97] : memref<16384x128xf32, #tpu.memory_space<hbm>> -> memref<128x128xf32, #tpu.memory_space<hbm>>
    tpu.wait_dma2 semaphore(%arg17 : memref<!tpu.dma_semaphore, #tpu.memory_space<semaphore_mem>>) src(%arg9 : memref<128x128xf32, #tpu.memory_space<vmem>>) dst(%dma_wait3A_98 : memref<128x128xf32, #tpu.memory_space<hbm>>)
    return
  }
}

module attributes {stable_mosaic.version = 14 : i64} {
  func.func @body(%arg0: i32, %arg1: memref<2048x128xf32, #tpu.memory_space<vmem>>, %arg2: memref<2048x128xf32, #tpu.memory_space<vmem>>, %arg3: memref<2048x128xf32, #tpu.memory_space<vmem>>, %arg4: memref<2048x128xf32, #tpu.memory_space<vmem>>, %arg5: memref<2048x1xi32, #tpu.memory_space<vmem>>, %arg6: memref<1x32xf32, #tpu.memory_space<vmem>>, %arg7: memref<128x64xf32, #tpu.memory_space<vmem>>, %arg8: memref<1x64xf32, #tpu.memory_space<vmem>>, %arg9: memref<64x32xf32, #tpu.memory_space<vmem>>, %arg10: memref<1x32xf32, #tpu.memory_space<vmem>>, %arg11: memref<2048x32xf32, #tpu.memory_space<vmem>>) attributes {dimension_semantics = [#tpu.dimension_semantics<arbitrary>], iteration_bounds = array<i64: 8>, scalar_prefetch = 0 : i64, scratch_operands = 0 : i64, tpu.core_type = #tpu.core_type<tc>, window_params = [{transform_indices = @transform_0, window_bounds = array<i64: 2048, 128>}, {transform_indices = @transform_1, window_bounds = array<i64: 2048, 128>}, {transform_indices = @transform_2, window_bounds = array<i64: 2048, 128>}, {transform_indices = @transform_3, window_bounds = array<i64: 2048, 128>}, {transform_indices = @transform_4, window_bounds = array<i64: 2048, 1>}, {pipeline_mode = #tpu.pipeline_mode<synchronous>, transform_indices = @transform_5, window_bounds = array<i64: 1, 32>}, {pipeline_mode = #tpu.pipeline_mode<synchronous>, transform_indices = @transform_6, window_bounds = array<i64: 128, 64>}, {pipeline_mode = #tpu.pipeline_mode<synchronous>, transform_indices = @transform_7, window_bounds = array<i64: 1, 64>}, {pipeline_mode = #tpu.pipeline_mode<synchronous>, transform_indices = @transform_8, window_bounds = array<i64: 64, 32>}, {pipeline_mode = #tpu.pipeline_mode<synchronous>, transform_indices = @transform_9, window_bounds = array<i64: 1, 32>}, {transform_indices = @transform_10, window_bounds = array<i64: 2048, 32>}]} {
    %get3A = arith.constant 0 : index
    %get3A_0 = arith.constant 0 : index
    %get3A_1 = vector.load %arg5[%get3A, %get3A_0] : memref<2048x1xi32, #tpu.memory_space<vmem>>, vector<2048x1xi32>
    %and3A = arith.constant 3 : i32
    %and3A_2 = vector.broadcast %and3A : i32 to vector<2048x1xi32>
    %and3A_3 = arith.andi %get3A_1, %and3A_2 : vector<2048x1xi32>
    %get3A_4 = arith.constant 0 : index
    %get3A_5 = arith.constant 0 : index
    %get3A_6 = vector.load %arg4[%get3A_4, %get3A_5] : memref<2048x128xf32, #tpu.memory_space<vmem>>, vector<2048x128xf32>
    %broadcast_in_dim3A = arith.constant 0.000000e+00 : f32
    %broadcast_in_dim3A_7 = vector.broadcast %broadcast_in_dim3A : f32 to vector<2048x32xf32>
    %eq3A = arith.constant 0 : i32
    %eq3A_8 = vector.broadcast %eq3A : i32 to vector<2048x1xi32>
    %eq3A_9 = arith.cmpi eq, %and3A_3, %eq3A_8 : vector<2048x1xi32>
    %slice3A = vector.extract_strided_slice %get3A_6 {offsets = [0, 0], sizes = [2048, 32], strides = [1, 1]} : vector<2048x128xf32> to vector<2048x32xf32>
    %broadcast_in_dim3A_10 = vector.shape_cast %eq3A_9 : vector<2048x1xi1> to vector<2048x1xi1>
    %broadcast_in_dim3A_11 = vector.broadcast %broadcast_in_dim3A_10 : vector<2048x1xi1> to vector<2048x32xi1>
    %select_n3A = arith.select %broadcast_in_dim3A_11, %slice3A, %broadcast_in_dim3A_7 : vector<2048x32xi1>, vector<2048x32xf32>
    %eq3A_12 = arith.constant 1 : i32
    %eq3A_13 = vector.broadcast %eq3A_12 : i32 to vector<2048x1xi32>
    %eq3A_14 = arith.cmpi eq, %and3A_3, %eq3A_13 : vector<2048x1xi32>
    %slice3A_15 = vector.extract_strided_slice %get3A_6 {offsets = [0, 32], sizes = [2048, 32], strides = [1, 1]} : vector<2048x128xf32> to vector<2048x32xf32>
    %broadcast_in_dim3A_16 = vector.shape_cast %eq3A_14 : vector<2048x1xi1> to vector<2048x1xi1>
    %broadcast_in_dim3A_17 = vector.broadcast %broadcast_in_dim3A_16 : vector<2048x1xi1> to vector<2048x32xi1>
    %select_n3A_18 = arith.select %broadcast_in_dim3A_17, %slice3A_15, %select_n3A : vector<2048x32xi1>, vector<2048x32xf32>
    %eq3A_19 = arith.constant 2 : i32
    %eq3A_20 = vector.broadcast %eq3A_19 : i32 to vector<2048x1xi32>
    %eq3A_21 = arith.cmpi eq, %and3A_3, %eq3A_20 : vector<2048x1xi32>
    %slice3A_22 = vector.extract_strided_slice %get3A_6 {offsets = [0, 64], sizes = [2048, 32], strides = [1, 1]} : vector<2048x128xf32> to vector<2048x32xf32>
    %broadcast_in_dim3A_23 = vector.shape_cast %eq3A_21 : vector<2048x1xi1> to vector<2048x1xi1>
    %broadcast_in_dim3A_24 = vector.broadcast %broadcast_in_dim3A_23 : vector<2048x1xi1> to vector<2048x32xi1>
    %select_n3A_25 = arith.select %broadcast_in_dim3A_24, %slice3A_22, %select_n3A_18 : vector<2048x32xi1>, vector<2048x32xf32>
    %eq3A_26 = arith.constant 3 : i32
    %eq3A_27 = vector.broadcast %eq3A_26 : i32 to vector<2048x1xi32>
    %eq3A_28 = arith.cmpi eq, %and3A_3, %eq3A_27 : vector<2048x1xi32>
    %slice3A_29 = vector.extract_strided_slice %get3A_6 {offsets = [0, 96], sizes = [2048, 32], strides = [1, 1]} : vector<2048x128xf32> to vector<2048x32xf32>
    %broadcast_in_dim3A_30 = vector.shape_cast %eq3A_28 : vector<2048x1xi1> to vector<2048x1xi1>
    %broadcast_in_dim3A_31 = vector.broadcast %broadcast_in_dim3A_30 : vector<2048x1xi1> to vector<2048x32xi1>
    %select_n3A_32 = arith.select %broadcast_in_dim3A_31, %slice3A_29, %select_n3A_25 : vector<2048x32xi1>, vector<2048x32xf32>
    %ge3A = arith.constant 100000 : i32
    %ge3A_33 = vector.broadcast %ge3A : i32 to vector<2048x1xi32>
    %ge3A_34 = arith.cmpi sge, %get3A_1, %ge3A_33 : vector<2048x1xi32>
    %get3A_35 = arith.constant 0 : index
    %get3A_36 = arith.constant 0 : index
    %get3A_37 = vector.load %arg6[%get3A_35, %get3A_36] : memref<1x32xf32, #tpu.memory_space<vmem>>, vector<1x32xf32>
    %broadcast_in_dim3A_38 = vector.shape_cast %ge3A_34 : vector<2048x1xi1> to vector<2048x1xi1>
    %broadcast_in_dim3A_39 = vector.broadcast %broadcast_in_dim3A_38 : vector<2048x1xi1> to vector<2048x32xi1>
    %broadcast_in_dim3A_40 = vector.shape_cast %get3A_37 : vector<1x32xf32> to vector<1x32xf32>
    %broadcast_in_dim3A_41 = vector.broadcast %broadcast_in_dim3A_40 : vector<1x32xf32> to vector<2048x32xf32>
    %select_n3A_42 = arith.select %broadcast_in_dim3A_39, %broadcast_in_dim3A_41, %select_n3A_32 : vector<2048x32xi1>, vector<2048x32xf32>
    %get3A_43 = arith.constant 0 : index
    %get3A_44 = arith.constant 0 : index
    %get3A_45 = vector.load %arg8[%get3A_43, %get3A_44] : memref<1x64xf32, #tpu.memory_space<vmem>>, vector<1x64xf32>
    %get3A_46 = arith.constant 0 : index
    %get3A_47 = arith.constant 0 : index
    %get3A_48 = vector.load %arg1[%get3A_46, %get3A_47] : memref<2048x128xf32, #tpu.memory_space<vmem>>, vector<2048x32xf32>
    %mul3A = arith.constant 1.000000e+00 : f32
    %mul3A_49 = vector.broadcast %mul3A : f32 to vector<2048x32xf32>
    %mul3A_50 = arith.mulf %get3A_48, %mul3A_49 : vector<2048x32xf32>
    %get3A_51 = arith.constant 0 : index
    %get3A_52 = arith.constant 0 : index
    %get3A_53 = vector.load %arg7[%get3A_51, %get3A_52] : memref<128x64xf32, #tpu.memory_space<vmem>>, vector<32x64xf32>
    %dot_general3A = arith.constant dense<0.000000e+00> : vector<2048x64xf32>
    %dot_general3A_54 = tpu.matmul %mul3A_50, %get3A_53, %dot_general3A {dimension_numbers = #tpu.dot_dimension_numbers<[1], [0], [0], [1], [0, 0, 1, 1], [], []>, transpose_lhs_hint = false} : vector<2048x32xf32>, vector<32x64xf32>, vector<2048x64xf32> -> vector<2048x64xf32>
    %add3A = vector.broadcast %get3A_45 : vector<1x64xf32> to vector<2048x64xf32>
    %add3A_55 = arith.addf %add3A, %dot_general3A_54 : vector<2048x64xf32>
    %get3A_56 = arith.constant 0 : index
    %get3A_57 = arith.constant 0 : index
    %get3A_58 = vector.load %arg2[%get3A_56, %get3A_57] : memref<2048x128xf32, #tpu.memory_space<vmem>>, vector<2048x32xf32>
    %mul3A_59 = arith.constant 2.500000e+00 : f32
    %mul3A_60 = vector.broadcast %mul3A_59 : f32 to vector<2048x32xf32>
    %mul3A_61 = arith.mulf %get3A_58, %mul3A_60 : vector<2048x32xf32>
    %get3A_62 = arith.constant 32 : index
    %get3A_63 = arith.constant 0 : index
    %get3A_64 = vector.load %arg7[%get3A_62, %get3A_63] : memref<128x64xf32, #tpu.memory_space<vmem>>, vector<32x64xf32>
    %dot_general3A_65 = arith.constant dense<0.000000e+00> : vector<2048x64xf32>
    %dot_general3A_66 = tpu.matmul %mul3A_61, %get3A_64, %dot_general3A_65 {dimension_numbers = #tpu.dot_dimension_numbers<[1], [0], [0], [1], [0, 0, 1, 1], [], []>, transpose_lhs_hint = false} : vector<2048x32xf32>, vector<32x64xf32>, vector<2048x64xf32> -> vector<2048x64xf32>
    %add3A_67 = arith.addf %add3A_55, %dot_general3A_66 : vector<2048x64xf32>
    %get3A_68 = arith.constant 64 : index
    %get3A_69 = arith.constant 0 : index
    %get3A_70 = vector.load %arg7[%get3A_68, %get3A_69] : memref<128x64xf32, #tpu.memory_space<vmem>>, vector<32x64xf32>
    %dot_general3A_71 = arith.constant dense<0.000000e+00> : vector<2048x64xf32>
    %dot_general3A_72 = tpu.matmul %select_n3A_42, %get3A_70, %dot_general3A_71 {dimension_numbers = #tpu.dot_dimension_numbers<[1], [0], [0], [1], [0, 0, 1, 1], [], []>, transpose_lhs_hint = false} : vector<2048x32xf32>, vector<32x64xf32>, vector<2048x64xf32> -> vector<2048x64xf32>
    %add3A_73 = arith.addf %add3A_67, %dot_general3A_72 : vector<2048x64xf32>
    %get3A_74 = arith.constant 0 : index
    %get3A_75 = arith.constant 0 : index
    %get3A_76 = vector.load %arg3[%get3A_74, %get3A_75] : memref<2048x128xf32, #tpu.memory_space<vmem>>, vector<2048x32xf32>
    %mul3A_77 = arith.constant 1.500000e+00 : f32
    %mul3A_78 = vector.broadcast %mul3A_77 : f32 to vector<2048x32xf32>
    %mul3A_79 = arith.mulf %get3A_76, %mul3A_78 : vector<2048x32xf32>
    %get3A_80 = arith.constant 96 : index
    %get3A_81 = arith.constant 0 : index
    %get3A_82 = vector.load %arg7[%get3A_80, %get3A_81] : memref<128x64xf32, #tpu.memory_space<vmem>>, vector<32x64xf32>
    %dot_general3A_83 = arith.constant dense<0.000000e+00> : vector<2048x64xf32>
    %dot_general3A_84 = tpu.matmul %mul3A_79, %get3A_82, %dot_general3A_83 {dimension_numbers = #tpu.dot_dimension_numbers<[1], [0], [0], [1], [0, 0, 1, 1], [], []>, transpose_lhs_hint = false} : vector<2048x32xf32>, vector<32x64xf32>, vector<2048x64xf32> -> vector<2048x64xf32>
    %add3A_85 = arith.addf %add3A_73, %dot_general3A_84 : vector<2048x64xf32>
    %max3A = arith.constant 0.000000e+00 : f32
    %max3A_86 = vector.broadcast %max3A : f32 to vector<2048x64xf32>
    %max3A_87 = arith.maximumf %add3A_85, %max3A_86 : vector<2048x64xf32>
    %get3A_88 = arith.constant 0 : index
    %get3A_89 = arith.constant 0 : index
    %get3A_90 = vector.load %arg9[%get3A_88, %get3A_89] : memref<64x32xf32, #tpu.memory_space<vmem>>, vector<64x32xf32>
    %dot_general3A_91 = arith.constant dense<0.000000e+00> : vector<2048x32xf32>
    %dot_general3A_92 = tpu.matmul %max3A_87, %get3A_90, %dot_general3A_91 {dimension_numbers = #tpu.dot_dimension_numbers<[1], [0], [0], [1], [0, 0, 1, 1], [], []>, transpose_lhs_hint = false} : vector<2048x64xf32>, vector<64x32xf32>, vector<2048x32xf32> -> vector<2048x32xf32>
    %get3A_93 = arith.constant 0 : index
    %get3A_94 = arith.constant 0 : index
    %get3A_95 = vector.load %arg10[%get3A_93, %get3A_94] : memref<1x32xf32, #tpu.memory_space<vmem>>, vector<1x32xf32>
    %add3A_96 = vector.broadcast %get3A_95 : vector<1x32xf32> to vector<2048x32xf32>
    %add3A_97 = arith.addf %dot_general3A_92, %add3A_96 : vector<2048x32xf32>
    %swap3A = arith.constant 0 : index
    %swap3A_98 = arith.constant 0 : index
    %swap3A_99 = vector.load %arg11[%swap3A, %swap3A_98] : memref<2048x32xf32, #tpu.memory_space<vmem>>, vector<2048x32xf32>
    tpu.vector_store %arg11[%swap3A, %swap3A_98], %add3A_97 {strides = array<i32>} : memref<2048x32xf32, #tpu.memory_space<vmem>>, vector<2048x32xf32>,
    return
  }
  func.func @transform_0(%arg0: i32) -> (i32, i32) {
    %c0_i32 = arith.constant 0 : i32
    %c0_i32_0 = arith.constant 0 : i32
    return %arg0, %c0_i32 : i32, i32
  }
  func.func @transform_1(%arg0: i32) -> (i32, i32) {
    %c0_i32 = arith.constant 0 : i32
    %c0_i32_0 = arith.constant 0 : i32
    return %arg0, %c0_i32 : i32, i32
  }
  func.func @transform_2(%arg0: i32) -> (i32, i32) {
    %c0_i32 = arith.constant 0 : i32
    %c0_i32_0 = arith.constant 0 : i32
    return %arg0, %c0_i32 : i32, i32
  }
  func.func @transform_3(%arg0: i32) -> (i32, i32) {
    %c0_i32 = arith.constant 0 : i32
    %c0_i32_0 = arith.constant 0 : i32
    return %arg0, %c0_i32 : i32, i32
  }
  func.func @transform_4(%arg0: i32) -> (i32, i32) {
    %c0_i32 = arith.constant 0 : i32
    %c0_i32_0 = arith.constant 0 : i32
    return %arg0, %c0_i32 : i32, i32
  }
  func.func @transform_5(%arg0: i32) -> (i32, i32) {
    %c0_i32 = arith.constant 0 : i32
    %c0_i32_0 = arith.constant 0 : i32
    %c0_i32_1 = arith.constant 0 : i32
    return %c0_i32, %c0_i32_0 : i32, i32
  }
  func.func @transform_6(%arg0: i32) -> (i32, i32) {
    %c0_i32 = arith.constant 0 : i32
    %c0_i32_0 = arith.constant 0 : i32
    %c0_i32_1 = arith.constant 0 : i32
    return %c0_i32, %c0_i32_0 : i32, i32
  }
  func.func @transform_7(%arg0: i32) -> (i32, i32) {
    %c0_i32 = arith.constant 0 : i32
    %c0_i32_0 = arith.constant 0 : i32
    %c0_i32_1 = arith.constant 0 : i32
    return %c0_i32, %c0_i32_0 : i32, i32
  }
  func.func @transform_8(%arg0: i32) -> (i32, i32) {
    %c0_i32 = arith.constant 0 : i32
    %c0_i32_0 = arith.constant 0 : i32
    %c0_i32_1 = arith.constant 0 : i32
    return %c0_i32, %c0_i32_0 : i32, i32
  }
  func.func @transform_9(%arg0: i32) -> (i32, i32) {
    %c0_i32 = arith.constant 0 : i32
    %c0_i32_0 = arith.constant 0 : i32
    %c0_i32_1 = arith.constant 0 : i32
    return %c0_i32, %c0_i32_0 : i32, i32
  }
  func.func @transform_10(%arg0: i32) -> (i32, i32) {
    %c0_i32 = arith.constant 0 : i32
    %c0_i32_0 = arith.constant 0 : i32
    return %arg0, %c0_i32 : i32, i32
  }
}

</mosaic_0001>

<sc_bundles>
// kernel: kernel.5.cloned.1.call-start
scs
__scs_entry_jumppad:
0x0: {  	(pc) =	sbr.rel $0x88, $3  }
0x1: {  	(tag) =	ssettag $0x0;
	lr =	simm.s32 $0x1  }
0x2: {  	[smem:$0x3F95] =	sst lr;
	_ =	strace $0xD0000000  }
0x3: {  	_ = 	snop  }
0x4: {  	_ = 	snop  }
0x5: {  	_ = 	snop  }
0x6: {  	_ = 	snop  }
0x7: {  	_ = 	snop  }
__scs_overlays_trampoline_lowered:
0x8: {  	[smem:$0x3FA4] =	sst s0  }
0x9: {  	[smem:$0x3FA5] =	sst s1  }
0xa: {  	[smem:$0x3FA6] =	sst s2  }
0xb: {  	[smem:$0x3FA7] =	sst s3  }
0xc: {  	[smem:$0x3FA8] =	sst s4  }
0xd: {  	[smem:$0x3FA9] =	sst s5  }
0xe: {  	[smem:$0x3FAA] =	sst s6  }
0xf: {  	[smem:$0x3FAB] =	sst s7  }
0x10: {  	[smem:$0x3FAC] =	sst s8  }
0x11: {  	[smem:$0x3FAD] =	sst s9;
	s0 =	simm.s32 @!p0 $0x0  }
0x12: {  	s1 =	sld [smem:$0x3F93];
	s0 =	simm.s32 @p0 $0x1  }
0x13: {  	[smem:$0x3FAE] =	sst s0;
	s0 =	simm.s32 @!p1 $0x0  }
0x14: {  	s2 =	sld [smem:$0x3F92];
	s0 =	simm.s32 @p1 $0x1  }
0x15: {  	[smem:$0x3FAF] =	sst s0;
	s0 =	simm.s32 @!p2 $0x0  }
0x16: {  	s3 =	sld [smem:$0x3FDB];
	s0 =	simm.s32 @p2 $0x1  }
0x17: {  	s4 =	simm.s32 $0x1BF5;
	[smem:$0x3FB1] =	sst s0  }
0x18: {  	s0 =	sld [smem:$0x3F94];
	_ =	swait.ge [sflag:s4], $0x0  }
0x19: {  	s7 =	sld [smem:$0x3F95]  }
0x1a: {  	s8 =	sadd.s32 $0xFFFFE003, lr  }
0x1b: {  	s9 =	sadd.s32 $0xFFFFFEF7, lr;
	s5 =	simm.s32 $0xFFFFFFFF;
	p2 =	slt.u32 s8, $0xFFFFF086  }
0x1c: {  	p1 =	slt.u32 s9, $0xF7A;
	s5 =	simm.s32 @!p2 $0x0  }
0x1d: {  	s5 =	simm.s32 @p1 $0x1;
	p0 =	seq.s32 s7, s2  }
0x1e: {  	s7 =	smul.u32 @!p0 $0xF7A, s2;
	p2 =	seq.s32 @!p0 s5, $0x0  }
0x1f: {  	s9 =	smul.u32 $0xF7A, s1;
	s8 =	simm.s32 @!p0 $0x1BF5;
	p2 =	por !p2, p0  }
0x20: {  	[sflag:s8] =	ssyncset.s32 @!p0 $0xFFFFF086;
	s6 =	sadd.s32 @!p0 s3, s7;
	s7 =	simm.s32 @!p0 $0x108  }
0x21: {  	s3 =	sadd.s32 s3, s9;
	s6 =	sadd.s32 @!p0 $0x88, s6;
	s7 =	simm.s32 @p2 $0x1082  }
0x22: {  	[simem:s7], [sflag:s8] =	dma.local @!p0 [hbm:s6], $0xF7A  }
0x23: {  	s9 =	sor.u32 $0xD0000000, s2;
	s6 =	simm.s32 $0x108;
	_ =	swait.ge @!p0 [sflag:s8], $0x0  }
0x24: {  	s3 =	sadd.s32 $0x88, s3;
	s6 =	simm.s32 @!p1 $0x1082;
	[sflag:s4] =	ssyncset.s32 $0xFFFFF086  }
0x25: {  	[simem:s6], [sflag:s4] =	dma.local [hbm:s3], $0xF7A  }
0x26: {  	[smem:$0x3F95] =	sst s1;
	(tag) =	ssettag s2;
	_ =	strace s9  }
0x27: {  	s1 =	sld [smem:$0x3FA5]  }
0x28: {  	s2 =	sld [smem:$0x3FA6]  }
0x29: {  	s4 =	sld [smem:$0x3FA8]  }
0x2a: {  	p0 =	seq.s32 s5, $0x0;
	s5 =	sld [smem:$0x3FA9]  }
0x2b: {  	s6 =	sld [smem:$0x3FAA]  }
0x2c: {  	s7 =	sld [smem:$0x3FAB]  }
0x2d: {  	s3 =	simm.s32 $0x108;
	s8 =	sld [smem:$0x3FAC]  }
0x2e: {  	s3 =	simm.s32 @!p0 $0x1082;
	s9 =	sld [smem:$0x3FAD]  }
0x2f: {  	lr =	sadd.s32 s0, s3;
	s0 =	sld [smem:$0x3FA4]  }
0x30: {  	s3 =	sld [smem:$0x3FA7]  }
0x31: {  	[smem:$0x3FB0] =	sst s10  }
0x32: {  	s10 =	sld [smem:$0x3FAE];
	_ =	sdelay $0x3  }
0x33: {  	p0 =	seq.s32 s10, $0x1;
	s10 =	sld [smem:$0x3FB0];
	_ =	sdelay $0x3  }
0x34: {  	[smem:$0x3FB0] =	sst s10  }
0x35: {  	s10 =	sld [smem:$0x3FAF];
	_ =	sdelay $0x3  }
0x36: {  	p1 =	seq.s32 s10, $0x1;
	s10 =	sld [smem:$0x3FB0];
	_ =	sdelay $0x3  }
0x37: {  	[smem:$0x3FB0] =	sst s10  }
0x38: {  	s10 =	sld [smem:$0x3FB1]  }
0x39: {  	_ = 	snop;
	(pc) =	sbr.ind lr, $3  }
0x3a: {  	_ = 	snop  }
0x3b: {  	_ = 	snop  }
0x3c: {  	p2 =	seq.s32 s10, $0x1;
	s10 =	sld [smem:$0x3FB0]  }
0x3d: {  	_ =	shalt  }
0x3e: {  	_ =	shalt  }
0x3f: {  	_ =	shalt  }
0x40: {  	_ =	shalt  }
0x41: {  	_ =	shalt  }
0x42: {  	_ =	shalt  }
0x43: {  	_ =	shalt  }
0x44: {  	_ =	shalt  }
0x45: {  	_ =	shalt  }
0x46: {  	_ =	shalt  }
0x47: {  	_ =	shalt  }
0x48: {  	_ =	shalt  }
0x49: {  	_ =	shalt  }
0x4a: {  	_ =	shalt  }
0x4b: {  	_ =	shalt  }
0x4c: {  	_ =	shalt  }
0x4d: {  	_ =	shalt  }
0x4e: {  	_ =	shalt  }
0x4f: {  	_ =	shalt  }
0x50: {  	_ =	shalt  }
0x51: {  	_ =	shalt  }
0x52: {  	_ =	shalt  }
0x53: {  	_ =	shalt  }
0x54: {  	_ =	shalt  }
0x55: {  	_ =	shalt  }
0x56: {  	_ =	shalt  }
0x57: {  	_ =	shalt  }
0x58: {  	_ =	shalt  }
0x59: {  	_ =	shalt  }
0x5a: {  	_ =	shalt  }
0x5b: {  	_ =	shalt  }
0x5c: {  	_ =	shalt  }
0x5d: {  	_ =	shalt  }
0x5e: {  	_ =	shalt  }
0x5f: {  	_ =	shalt  }
0x60: {  	_ =	shalt  }
0x61: {  	_ =	shalt  }
0x62: {  	_ =	shalt  }
0x63: {  	_ =	shalt  }
0x64: {  	_ =	shalt  }
0x65: {  	_ =	shalt  }
0x66: {  	_ =	shalt  }
0x67: {  	_ =	shalt  }
0x68: {  	_ =	shalt  }
0x69: {  	_ =	shalt  }
0x6a: {  	_ =	shalt  }
0x6b: {  	_ =	shalt  }
0x6c: {  	_ =	shalt  }
0x6d: {  	_ =	shalt  }
0x6e: {  	_ =	shalt  }
0x6f: {  	_ =	shalt  }
0x70: {  	_ =	shalt  }
0x71: {  	_ =	shalt  }
0x72: {  	_ =	shalt  }
0x73: {  	_ =	shalt  }
0x74: {  	_ =	shalt  }
0x75: {  	_ =	shalt  }
0x76: {  	_ =	shalt  }
0x77: {  	_ =	shalt  }
0x78: {  	_ =	shalt  }
0x79: {  	_ =	shalt  }
0x7a: {  	_ =	shalt  }
0x7b: {  	_ =	shalt  }
0x7c: {  	_ =	shalt  }
0x7d: {  	_ =	shalt  }
0x7e: {  	_ =	shalt  }
0x7f: {  	_ =	shalt  }
0x80: {  	_ =	shalt  }
0x81: {  	_ =	shalt  }
0x82: {  	_ =	shalt  }
0x83: {  	_ =	shalt  }
0x84: {  	_ =	shalt  }
0x85: {  	_ =	shalt  }
0x86: {  	_ =	shalt  }
0x87: {  	_ =	shalt  }
.Lfunc_end0:
.L_simem_size_0:
called_computation_lowered:
.L_overlay_start_0:
0x88: {  	s2 =	sld [smem:$0x3FD9]  }
0x89: {  	s3 =	sld [smem:$0x3FFE];
	_ =	sdelay $0x1  }
0x8a: {  	s1 =	srdreg.scid  }
0x8b: {  	s0 =	sand.u32 $0x1, s1  }
0x8c: {  	s17 =	sshll.u32 s0, $0xA;
	s2 =	sadd.s32 s3, s2  }
0x8d: {  	s2 =	sadd.s32 s2, s17  }
0x8e: {  	[smem:$0x3FBC] =	sst s2  }
0x8f: {  	_ = 	snop  }
0x90: {  	s2 =	sld [smem:$0x3FC9]  }
0x91: {  	s18 =	sld [smem:$0x3FC8]  }
0x92: {  	s4 =	sld [smem:$0x3FC6]  }
0x93: {  	s5 =	sld [smem:$0x3FD0];
	(tm) =	ssettm $0x1  }
0x94: {  	s6 =	sld [smem:$0x3FFB];
	_ =	sdelay $0x3  }
0x95: {  	_ =	strace s6  }
0x96: {  	s6 =	sld [smem:$0x3FFC];
	_ =	sdelay $0x3  }
0x97: {  	_ =	strace s6  }
0x98: {  	s6 =	sld [smem:$0x3FFD];
	_ =	sdelay $0x3  }
0x99: {  	_ =	strace s6  }
0x9a: {  	_ =	strace $0x8FFFFFFF  }
0x9b: {  	s19 =	sld [smem:$0x3FDB];
	_ =	sdelay $0x1  }
0x9c: {  	s7 =	simm.s32 $_scs_section_size  }
0x9d: {  	s8 =	simm.s32 $_size__tile_overlayer_lowered;
	s9 =	simm.s32 $_tile_overlayer_lowered  }
0x9e: {  	s22 =	simm.s32 $0x1BFF;
	s21 =	sshll.u32 s9, $0x1;
	s6 =	sadd.s32 s7, s19  }
0x9f: {  	s10 =	simm.s32 $0x0;
	s20 =	sshll.u32 s8, $0x1;
	s8 =	sadd.s32 s21, s6  }
0xa0: {  	[timem:s10], [sflag:s22] =	dma.local [hbm:s8], s20  }
0xa1: {  	_ =	swait.ge [sflag:s22], s20  }
0xa2: {  	s7 =	ssub.s32 $0x0, s20;
	[sflag:s22] =	ssyncset.done $0x0  }
0xa3: {  	[sflag:s22] =	ssyncadd.s32 s7;
	_ =	sdelay $0x1  }
0xa4: {  	s23 =	simm.s32 $0x1B8B  }
0xa5: {  	_ =	swait.ge [sflag:s23], $0x1  }
0xa6: {  	[sflag:s23] =	ssyncset.done $0x0  }
0xa7: {  	s25 =	simm.s32 $0x1B8E;
	s24 =	sld [smem:$0x3FFE];
	[sflag:s23] =	ssyncadd.s32 $0xFFFFFFFF  }
0xa8: {  	s26 =	simm.s32 $execute0_lowered;
	[smem:$0x3FD2] =	sst s25  }
0xa9: {  	s8 =	sshll.u32 s26, $0x1;
	_ =	strace $0x80000046;
	[dreg:$0x1] =	wrdreg $0xFFFFFFFF  }
0xaa: {  	s28 =	simm.s32 $_size_execute0_lowered;
	s6 =	sadd.s32 s6, s8;
	[dreg:$0x0] =	wrdreg $0x0  }
0xab: {  	s8 =	sshll.u32 s28, $0x1;
	[dreg:$0x2] =	wrdreg s6  }
0xac: {  	[dreg:$0x3] =	wrdreg s8  }
0xad: {  	[dreg:$0x4] =	wrdreg $0xC0  }
0xae: {  	_ =	task [dreg:s10], $0x5FFFF  }
0xaf: {  	[dreg:$0x1] =	wrdreg $0xFFFFFFFF  }
0xb0: {  	[dreg:$0x0] =	wrdreg $0x60  }
0xb1: {  	[dreg:$0x2] =	wrdreg s2  }
0xb2: {  	[dreg:$0x3] =	wrdreg s18  }
0xb3: {  	[dreg:$0x4] =	wrdreg s4  }
0xb4: {  	[dreg:$0x5] =	wrdreg s5  }
0xb5: {  	[dreg:$0x6] =	wrdreg s24  }
0xb6: {  	[dreg:$0x7] =	wrdreg $0x9  }
0xb7: {  	_ =	task.clear_ibuf [dreg:s10], $0x8FFFF;
	_ =	strace $0x90000046  }
0xb8: {  	s29 =	simm.s32 $0x9;
	_ =	strace $0x80000048  }
0xb9: {  	_ =	swait.ge [sflag:s29], $0x1  }
0xba: {  	[sflag:s29] =	ssyncadd.s32 $0xFFFFFFFF  }
0xbb: {  	_ =	strace $0x90000048  }
0xbc: {  	_ =	sfence  }
0xbd: {  	s30 =	sld [smem:$0x0];
	_ =	sdelay $0x2  }
0xbe: {  	s31 =	sshll.u32 s1, $0xD;
	s1 =	sshrl.u32 s1, $0x2  }
0xbf: {  	s3 =	sand.u32 $0x4000, s31;
	s1 =	sadd.s32 s1, s30  }
0xc0: {  	s0 =	sor.u32 s3, s0;
	s1 =	sshll.u32 s1, $0x11  }
0xc1: {  	s0 =	sor.u32 s1, s0  }
0xc2: {  	s0 =	sadd.s32 $0x8F2B, s0  }
0xc3: {  	[sflag:s0] =	ssyncadd.remote.s32 $0x1  }
0xc4: {  	_ =	sfence.sel $0xFFFF  }
0xc5: {  	[dreg:$0x0] =	wrdreg $0xFFFFFFFF;
	(pc) =	sbr.abs _section_cstart, $3  }
0xc6: {  	[dreg:$0x1] =	wrdreg $0xFFFFFFFF  }
0xc7: {  	_ =	task.clear_ibuf [dreg:s10], $0x2FFFF;
	_ =	strace $0x9FFFFFFF  }
0xc8: {  	(tm) =	ssettm $0x7FFFFFFF  }
0xc9: {  	_ =	shalt  }
tec
execute0_lowered:
.L_overlay_start_1:
0x0: {  	(tag) =	ssettag $0x1  }
0x1: {  	s0 =	rddreg [dreg:$0x0]  }
0x2: {  	s1 =	rddreg [dreg:$0x1]  }
0x3: {  	s3 =	rddreg [dreg:$0x2]  }
0x4: {  	s18 =	rddreg [dreg:$0x3]  }
0x5: {  	s4 =	rddreg [dreg:$0x4];
	s2 =	srdreg.scid  }
0x6: {  	s8 =	stileid.u32;
	s29 =	simm.s32 $0x9;
	s30 =	simm.s32 $0x100  }
0x7: {  	s31 =	simm.s32 $0x180;
	s28 =	simm.s32 $0x280;
	p0 =	por $0x0, $0x0  }
0x8: {  	s5 =	sand.u32 $0x1, s2;
	s2 =	simm.s32 $0x0;
	s6 =	sshll.u32 s8, $0x7  }
0x9: {  	s17 =	sadd.s32 $0x9800, s4;
	s20 =	sshll.u32 s8, $0xE;
	s9 =	sadd.s32 $0x49800, s4  }
0xa: {  	s15 =	sadd.s32 $0x89800, s4;
	s7 =	sshll.u32 s5, $0x6;
	[smem:$0x7FF] =	sst s2  }
0xb: {  	s21 =	sshll.u32 s5, $0xD;
	s6 =	sor.u32 s7, s6;
	_ =	strace $0x80000047  }
0xc: {  	s7 =	simm.s32 $0xC800;
	s0 =	sadd.s32 s0, s6;
	s19 =	sadd.s32 s1, s6  }
0xd: {  	s22 =	sadd.s32 s3, s6;
	s1 =	sor.u32 s21, s20;
	[dreg:$0x6] =	wrdreg s0  }
0xe: {  	s20 =	ssub.s32 $0x2, s5;
	s6 =	simm.s32 $0x5;
	[dreg:$0x7] =	wrdreg s19  }
0xf: {  	s5 =	simm.s32 $0x7;
	[dreg:$0x8] =	wrdreg s22;
	s23 =	sadd.s32 s17, s1  }
0x10: {  	s24 =	sor.u32 $0x800, s1;
	s26 =	sor.u32 $0x1000, s1;
	s8 =	sor.u32 $0x1800, s1  }
0x11: {  	s12 =	sadd.s32 s9, s1;
	s19 =	sadd.s32 $0x1800, s4;
	s22 =	sshrl.u32 s20, $0x1  }
0x12: {  	[dreg:$0x9] =	wrdreg s23;
	s25 =	sadd.s32 s17, s24;
	s10 =	sadd.s32 s17, s26  }
0x13: {  	s11 =	sadd.s32 s17, s8;
	[dreg:$0xd] =	wrdreg s12;
	s13 =	sadd.s32 s9, s24  }
0x14: {  	s14 =	sadd.s32 s9, s26;
	s16 =	sadd.s32 s9, s8;
	[dreg:$0xa] =	wrdreg s25  }
0x15: {  	s17 =	sadd.s32 s15, s1;
	s21 =	sadd.s32 s15, s24;
	[dreg:$0xb] =	wrdreg s10  }
0x16: {  	s23 =	sadd.s32 s15, s26;
	s1 =	ssub.s32 s20, s22;
	[dreg:$0xc] =	wrdreg s11  }
0x17: {  	s3 =	sadd.s32 s15, s8;
	s26 =	simm.s32 $0x200;
	[dreg:$0xe] =	wrdreg s13  }
0x18: {  	s12 =	simm.s32 $0x800;
	s9 =	simm.s32 $0x8800;
	[dreg:$0xf] =	wrdreg s14  }
0x19: {  	s15 =	simm.s32 $0x2;
	s8 =	simm.s32 $0x8;
	[dreg:$0x10] =	wrdreg s16  }
0x1a: {  	s22 =	simm.s32 $0x500;
	[dreg:$0x11] =	wrdreg s17;
	s24 =	smax.u32 s1, $0x1  }
0x1b: {  	s20 =	simm.s32 $0x580;
	[dreg:$0x12] =	wrdreg s21;
	p1 =	sne.s32 s24, $0x1  }
.Ltmp0:
0x1c: {  	s10 =	sadd.s32 $0x5800, s4;
	[dreg:$0x13] =	wrdreg s23;
	(pc) =	sbr.rel @!p1 .LBB2_3-.Ltmp0, $4  }
0x1d: {  	s21 =	simm.s32 $0x400;
	s14 =	simm.s32 $0x80;
	s11 =	simm.s32 $0x4800  }
0x1e: {  	s17 =	simm.s32 $0x1;
	s4 =	simm.s32 $0x6;
	s13 =	simm.s32 $0x3  }
0x1f: {  	s25 =	simm.s32 $0x300;
	s16 =	simm.s32 $0x4;
	s23 =	simm.s32 $0x480  }
0x20: {  	s1 =	rddreg [dreg:$0x6];
	s0 =	sadd.s32 $0xFFFFFFFF, s24;
	s24 =	simm.s32 $0x380  }
0x21: {  	[tilespmem:s2], [sflag:$0x9] =	stream.linear.gather [hbm4b:s1+s2], $0x200, $0x38;
	[tilespmem:$0x10800] =	vst v63  }
0x22: {  	_ =	swait.ge [sflag:s29], $0x200  }
0x23: {  	[sflag:s29] =	ssyncset.done $0x0  }
0x24: {  	s1 =	rddreg [dreg:$0x7];
	[sflag:s29] =	ssyncadd.s32 $0xFFFFFE00  }
0x25: {  	[tilespmem:s26], [sflag:$0x9] =	stream.linear.gather [hbm4b:s1+s2], $0x200, $0x38;
	[tilespmem:$0x10800] =	vst v63  }
0x26: {  	_ =	swait.ge [sflag:s29], $0x200  }
0x27: {  	[sflag:s29] =	ssyncset.done $0x0  }
0x28: {  	s1 =	rddreg [dreg:$0x8];
	[sflag:s29] =	ssyncadd.s32 $0xFFFFFE00  }
0x29: {  	[tilespmem:s21], [sflag:$0x9] =	stream.linear.gather [hbm4b:s1+s2], $0x200, $0x38;
	[tilespmem:$0x10800] =	vst v63  }
0x2a: {  	_ =	swait.ge [sflag:s29], $0x200  }
0x2b: {  	[sflag:s29] =	ssyncset.done $0x0  }
0x2c: {  	[sflag:s29] =	ssyncadd.s32 $0xFFFFFE00  }
0x2d: {  	[tilespmem:s12], [sflag:$0x1] =	stream.indirect.gather [hbm4b:s18+s14], $0x80, s2, s14, $0xb8;
	[tilespmem:$0x10800] =	vst v63  }
0x2e: {  	_ = 	snop  }
0x2f: {  	[tilespmem:s11], [sflag:$0x2] =	stream.indirect.gather [hbm4b:s18+s14], $0x80, s14, s14, $0xb8;
	[tilespmem:$0x10800] =	vst v63  }
0x30: {  	_ = 	snop  }
0x31: {  	[tilespmem:s9], [sflag:$0x3] =	stream.indirect.gather [hbm4b:s18+s14], $0x80, s30, s14, $0xb8;
	[tilespmem:$0x10800] =	vst v63  }
0x32: {  	_ = 	snop  }
0x33: {  	[tilespmem:s7], [sflag:$0x4] =	stream.indirect.gather [hbm4b:s18+s14], $0x80, s31, s14, $0xb8;
	[tilespmem:$0x10800] =	vst v63  }
0x34: {  	_ =	swait.ge [sflag:s17], $0x4000  }
0x35: {  	[sflag:s17] =	ssyncset.done $0x0  }
0x36: {  	s1 =	rddreg [dreg:$0x9];
	[sflag:s17] =	ssyncadd.s32 $0xFFFFC000  }
0x37: {  	[hbm4b:s1+s2] =	stream.linear.scatter [tilespmem:s12], [sflag:$0x5], $0x4000, $0x38;
	[tilespmem:$0x10800] =	vst v63  }
0x38: {  	_ =	swait.ge [sflag:s6], $0x4000  }
0x39: {  	[sflag:s6] =	ssyncset.done $0x0  }
0x3a: {  	[sflag:s6] =	ssyncadd.s32 $0xFFFFC000  }
0x3b: {  	[tilespmem:s12], [sflag:$0x1] =	stream.indirect.gather [hbm4b:s19+s14], $0x80, s26, s14, $0xb8;
	[tilespmem:$0x10800] =	vst v63  }
0x3c: {  	_ =	swait.ge [sflag:s15], $0x4000  }
0x3d: {  	[sflag:s15] =	ssyncset.done $0x0  }
0x3e: {  	s1 =	rddreg [dreg:$0xa];
	[sflag:s15] =	ssyncadd.s32 $0xFFFFC000  }
0x3f: {  	[hbm4b:s1+s2] =	stream.linear.scatter [tilespmem:s11], [sflag:$0x6], $0x4000, $0x38;
	[tilespmem:$0x10800] =	vst v63  }
0x40: {  	_ =	swait.ge [sflag:s4], $0x4000  }
0x41: {  	[sflag:s4] =	ssyncset.done $0x0  }
0x42: {  	[sflag:s4] =	ssyncadd.s32 $0xFFFFC000  }
0x43: {  	[tilespmem:s11], [sflag:$0x2] =	stream.indirect.gather [hbm4b:s19+s14], $0x80, s28, s14, $0xb8;
	[tilespmem:$0x10800] =	vst v63  }
0x44: {  	_ =	swait.ge [sflag:s13], $0x4000  }
0x45: {  	[sflag:s13] =	ssyncset.done $0x0  }
0x46: {  	s1 =	rddreg [dreg:$0xb];
	[sflag:s13] =	ssyncadd.s32 $0xFFFFC000  }
0x47: {  	[hbm4b:s1+s2] =	stream.linear.scatter [tilespmem:s9], [sflag:$0x7], $0x4000, $0x38;
	[tilespmem:$0x10800] =	vst v63  }
0x48: {  	_ =	swait.ge [sflag:s5], $0x4000  }
0x49: {  	[sflag:s5] =	ssyncset.done $0x0  }
0x4a: {  	[sflag:s5] =	ssyncadd.s32 $0xFFFFC000  }
0x4b: {  	[tilespmem:s9], [sflag:$0x3] =	stream.indirect.gather [hbm4b:s19+s14], $0x80, s25, s14, $0xb8;
	[tilespmem:$0x10800] =	vst v63  }
0x4c: {  	_ =	swait.ge [sflag:s16], $0x4000  }
0x4d: {  	[sflag:s16] =	ssyncset.done $0x0  }
0x4e: {  	s1 =	rddreg [dreg:$0xc];
	[sflag:s16] =	ssyncadd.s32 $0xFFFFC000  }
0x4f: {  	[hbm4b:s1+s2] =	stream.linear.scatter [tilespmem:s7], [sflag:$0x8], $0x4000, $0x38;
	[tilespmem:$0x10800] =	vst v63  }
0x50: {  	_ =	swait.ge [sflag:s8], $0x4000  }
0x51: {  	[sflag:s8] =	ssyncset.done $0x0  }
0x52: {  	[sflag:s8] =	ssyncadd.s32 $0xFFFFC000  }
0x53: {  	[tilespmem:s7], [sflag:$0x4] =	stream.indirect.gather [hbm4b:s19+s14], $0x80, s24, s14, $0xb8;
	[tilespmem:$0x10800] =	vst v63  }
0x54: {  	_ =	swait.ge [sflag:s17], $0x4000  }
0x55: {  	[sflag:s17] =	ssyncset.done $0x0  }
0x56: {  	s1 =	rddreg [dreg:$0xd];
	[sflag:s17] =	ssyncadd.s32 $0xFFFFC000  }
0x57: {  	[hbm4b:s1+s2] =	stream.linear.scatter [tilespmem:s12], [sflag:$0x5], $0x4000, $0x38;
	[tilespmem:$0x10800] =	vst v63  }
0x58: {  	_ =	swait.ge [sflag:s6], $0x4000  }
0x59: {  	[sflag:s6] =	ssyncset.done $0x0  }
0x5a: {  	[sflag:s6] =	ssyncadd.s32 $0xFFFFC000  }
0x5b: {  	[tilespmem:s12], [sflag:$0x1] =	stream.indirect.gather [hbm4b:s10+s14], $0x80, s21, s14, $0xb8;
	[tilespmem:$0x10800] =	vst v63  }
0x5c: {  	_ =	swait.ge [sflag:s15], $0x4000  }
0x5d: {  	[sflag:s15] =	ssyncset.done $0x0  }
0x5e: {  	s1 =	rddreg [dreg:$0xe];
	[sflag:s15] =	ssyncadd.s32 $0xFFFFC000  }
0x5f: {  	[hbm4b:s1+s2] =	stream.linear.scatter [tilespmem:s11], [sflag:$0x6], $0x4000, $0x38;
	[tilespmem:$0x10800] =	vst v63  }
0x60: {  	_ =	swait.ge [sflag:s4], $0x4000  }
0x61: {  	[sflag:s4] =	ssyncset.done $0x0  }
0x62: {  	[sflag:s4] =	ssyncadd.s32 $0xFFFFC000  }
0x63: {  	[tilespmem:s11], [sflag:$0x2] =	stream.indirect.gather [hbm4b:s10+s14], $0x80, s23, s14, $0xb8;
	[tilespmem:$0x10800] =	vst v63  }
0x64: {  	_ =	swait.ge [sflag:s13], $0x4000  }
0x65: {  	[sflag:s13] =	ssyncset.done $0x0  }
0x66: {  	s1 =	rddreg [dreg:$0xf];
	[sflag:s13] =	ssyncadd.s32 $0xFFFFC000  }
0x67: {  	[hbm4b:s1+s2] =	stream.linear.scatter [tilespmem:s9], [sflag:$0x7], $0x4000, $0x38;
	[tilespmem:$0x10800] =	vst v63  }
0x68: {  	_ =	swait.ge [sflag:s5], $0x4000  }
0x69: {  	[sflag:s5] =	ssyncset.done $0x0  }
0x6a: {  	[sflag:s5] =	ssyncadd.s32 $0xFFFFC000  }
0x6b: {  	[tilespmem:s9], [sflag:$0x3] =	stream.indirect.gather [hbm4b:s10+s14], $0x80, s22, s14, $0xb8;
	[tilespmem:$0x10800] =	vst v63  }
0x6c: {  	_ =	swait.ge [sflag:s16], $0x4000  }
0x6d: {  	[sflag:s16] =	ssyncset.done $0x0  }
0x6e: {  	s1 =	rddreg [dreg:$0x10];
	[sflag:s16] =	ssyncadd.s32 $0xFFFFC000  }
0x6f: {  	[hbm4b:s1+s2] =	stream.linear.scatter [tilespmem:s7], [sflag:$0x8], $0x4000, $0x38;
	[tilespmem:$0x10800] =	vst v63  }
0x70: {  	_ =	swait.ge [sflag:s8], $0x4000  }
0x71: {  	[sflag:s8] =	ssyncset.done $0x0  }
0x72: {  	[sflag:s8] =	ssyncadd.s32 $0xFFFFC000  }
0x73: {  	[tilespmem:s7], [sflag:$0x4] =	stream.indirect.gather [hbm4b:s10+s14], $0x80, s20, s14, $0xb8;
	[tilespmem:$0x10800] =	vst v63  }
0x74: {  	_ =	swait.ge [sflag:s17], $0x4000  }
0x75: {  	[sflag:s17] =	ssyncset.done $0x0  }
0x76: {  	s1 =	rddreg [dreg:$0x11];
	[sflag:s17] =	ssyncadd.s32 $0xFFFFC000  }
0x77: {  	[hbm4b:s1+s2] =	stream.linear.scatter [tilespmem:s12], [sflag:$0x5], $0x4000, $0x38;
	[tilespmem:$0x10800] =	vst v63  }
0x78: {  	_ =	swait.ge [sflag:s15], $0x4000  }
0x79: {  	[sflag:s15] =	ssyncset.done $0x0  }
0x7a: {  	s1 =	rddreg [dreg:$0x12];
	[sflag:s15] =	ssyncadd.s32 $0xFFFFC000  }
0x7b: {  	[hbm4b:s1+s2] =	stream.linear.scatter [tilespmem:s11], [sflag:$0x6], $0x4000, $0x38;
	[tilespmem:$0x10800] =	vst v63  }
0x7c: {  	_ =	swait.ge [sflag:s13], $0x4000  }
0x7d: {  	[sflag:s13] =	ssyncset.done $0x0  }
0x7e: {  	s1 =	rddreg [dreg:$0x13];
	[sflag:s13] =	ssyncadd.s32 $0xFFFFC000  }
0x7f: {  	[hbm4b:s1+s2] =	stream.linear.scatter [tilespmem:s9], [sflag:$0x7], $0x4000, $0x38;
	[tilespmem:$0x10800] =	vst v63  }
0x80: {  	_ =	swait.ge [sflag:s16], $0x4000  }
0x81: {  	[sflag:s16] =	ssyncset.done $0x0  }
0x82: {  	[sflag:s16] =	ssyncadd.s32 $0xFFFFC000  }
0x83: {  	[hbm4b:s3+s2] =	stream.linear.scatter [tilespmem:s7], [sflag:$0x8], $0x4000, $0x38;
	[tilespmem:$0x10800] =	vst v63  }
0x84: {  	_ =	swait.ge [sflag:s6], $0x4000  }
0x85: {  	[sflag:s6] =	ssyncset.done $0x0  }
0x86: {  	[sflag:s6] =	ssyncadd.s32 $0xFFFFC000  }
0x87: {  	_ =	swait.ge [sflag:s4], $0x4000  }
0x88: {  	[sflag:s4] =	ssyncset.done $0x0  }
0x89: {  	p1 =	sne.s32 s0, $0x1;
	[sflag:s4] =	ssyncadd.s32 $0xFFFFC000  }
.Ltmp1:
0x8a: {  	_ =	swait.ge [sflag:s5], $0x4000;
	(pc) =	sbr.rel @!p1 .LBB2_3-.Ltmp1, $4  }
0x8b: {  	[sflag:s5] =	ssyncset.done $0x0  }
0x8c: {  	[sflag:s5] =	ssyncadd.s32 $0xFFFFC000  }
0x8d: {  	s0 =	sadd.s32 $0xFFFFFFFF, s0;
	_ =	swait.ge [sflag:s8], $0x4000  }
0x8e: {  	p0 =	por $0x1, $0x1;
	s1 =	rddreg [dreg:$0x6];
	[sflag:s8] =	ssyncset.done $0x0  }
.LBB2_2:
0x8f: {  	[sflag:s8] =	ssyncadd.s32 $0xFFFFC000  }
0x90: {  	[tilespmem:s2], [sflag:$0x9] =	stream.linear.gather [hbm4b:s1+s2], $0x200, $0x38;
	[tilespmem:$0x10800] =	vst v63  }
0x91: {  	_ =	swait.ge [sflag:s29], $0x200  }
0x92: {  	[sflag:s29] =	ssyncset.done $0x0  }
0x93: {  	s1 =	rddreg [dreg:$0x7];
	[sflag:s29] =	ssyncadd.s32 $0xFFFFFE00  }
0x94: {  	[tilespmem:s26], [sflag:$0x9] =	stream.linear.gather [hbm4b:s1+s2], $0x200, $0x38;
	[tilespmem:$0x10800] =	vst v63  }
0x95: {  	_ =	swait.ge [sflag:s29], $0x200  }
0x96: {  	[sflag:s29] =	ssyncset.done $0x0  }
0x97: {  	s1 =	rddreg [dreg:$0x8];
	[sflag:s29] =	ssyncadd.s32 $0xFFFFFE00  }
0x98: {  	[tilespmem:s21], [sflag:$0x9] =	stream.linear.gather [hbm4b:s1+s2], $0x200, $0x38;
	[tilespmem:$0x10800] =	vst v63  }
0x99: {  	_ =	swait.ge [sflag:s29], $0x200  }
0x9a: {  	[sflag:s29] =	ssyncset.done $0x0  }
0x9b: {  	[sflag:s29] =	ssyncadd.s32 $0xFFFFFE00  }
0x9c: {  	[tilespmem:s12], [sflag:$0x1] =	stream.indirect.gather [hbm4b:s18+s14], $0x80, s2, s14, $0xb8;
	[tilespmem:$0x10800] =	vst v63  }
0x9d: {  	_ = 	snop  }
0x9e: {  	[tilespmem:s11], [sflag:$0x2] =	stream.indirect.gather [hbm4b:s18+s14], $0x80, s14, s14, $0xb8;
	[tilespmem:$0x10800] =	vst v63  }
0x9f: {  	_ = 	snop  }
0xa0: {  	[tilespmem:s9], [sflag:$0x3] =	stream.indirect.gather [hbm4b:s18+s14], $0x80, s30, s14, $0xb8;
	[tilespmem:$0x10800] =	vst v63  }
0xa1: {  	_ = 	snop  }
0xa2: {  	[tilespmem:s7], [sflag:$0x4] =	stream.indirect.gather [hbm4b:s18+s14], $0x80, s31, s14, $0xb8;
	[tilespmem:$0x10800] =	vst v63  }
0xa3: {  	_ =	swait.ge [sflag:s17], $0x4000  }
0xa4: {  	[sflag:s17] =	ssyncset.done $0x0  }
0xa5: {  	s1 =	rddreg [dreg:$0x9];
	[sflag:s17] =	ssyncadd.s32 $0xFFFFC000  }
0xa6: {  	[hbm4b:s1+s2] =	stream.linear.scatter [tilespmem:s12], [sflag:$0x5], $0x4000, $0x38;
	[tilespmem:$0x10800] =	vst v63  }
0xa7: {  	_ =	swait.ge [sflag:s6], $0x4000  }
0xa8: {  	[sflag:s6] =	ssyncset.done $0x0  }
0xa9: {  	[sflag:s6] =	ssyncadd.s32 $0xFFFFC000  }
0xaa: {  	[tilespmem:s12], [sflag:$0x1] =	stream.indirect.gather [hbm4b:s19+s14], $0x80, s26, s14, $0xb8;
	[tilespmem:$0x10800] =	vst v63  }
0xab: {  	_ =	swait.ge [sflag:s15], $0x4000  }
0xac: {  	[sflag:s15] =	ssyncset.done $0x0  }
0xad: {  	s1 =	rddreg [dreg:$0xa];
	[sflag:s15] =	ssyncadd.s32 $0xFFFFC000  }
0xae: {  	[hbm4b:s1+s2] =	stream.linear.scatter [tilespmem:s11], [sflag:$0x6], $0x4000, $0x38;
	[tilespmem:$0x10800] =	vst v63  }
0xaf: {  	_ =	swait.ge [sflag:s4], $0x4000  }
0xb0: {  	[sflag:s4] =	ssyncset.done $0x0  }
0xb1: {  	[sflag:s4] =	ssyncadd.s32 $0xFFFFC000  }
0xb2: {  	[tilespmem:s11], [sflag:$0x2] =	stream.indirect.gather [hbm4b:s19+s14], $0x80, s28, s14, $0xb8;
	[tilespmem:$0x10800] =	vst v63  }
0xb3: {  	_ =	swait.ge [sflag:s13], $0x4000  }
0xb4: {  	[sflag:s13] =	ssyncset.done $0x0  }
0xb5: {  	s1 =	rddreg [dreg:$0xb];
	[sflag:s13] =	ssyncadd.s32 $0xFFFFC000  }
0xb6: {  	[hbm4b:s1+s2] =	stream.linear.scatter [tilespmem:s9], [sflag:$0x7], $0x4000, $0x38;
	[tilespmem:$0x10800] =	vst v63  }
0xb7: {  	_ =	swait.ge [sflag:s5], $0x4000  }
0xb8: {  	[sflag:s5] =	ssyncset.done $0x0  }
0xb9: {  	[sflag:s5] =	ssyncadd.s32 $0xFFFFC000  }
0xba: {  	[tilespmem:s9], [sflag:$0x3] =	stream.indirect.gather [hbm4b:s19+s14], $0x80, s25, s14, $0xb8;
	[tilespmem:$0x10800] =	vst v63  }
0xbb: {  	_ =	swait.ge [sflag:s16], $0x4000  }
0xbc: {  	[sflag:s16] =	ssyncset.done $0x0  }
0xbd: {  	s1 =	rddreg [dreg:$0xc];
	[sflag:s16] =	ssyncadd.s32 $0xFFFFC000  }
0xbe: {  	[hbm4b:s1+s2] =	stream.linear.scatter [tilespmem:s7], [sflag:$0x8], $0x4000, $0x38;
	[tilespmem:$0x10800] =	vst v63  }
0xbf: {  	_ =	swait.ge [sflag:s8], $0x4000  }
0xc0: {  	[sflag:s8] =	ssyncset.done $0x0  }
0xc1: {  	[sflag:s8] =	ssyncadd.s32 $0xFFFFC000  }
0xc2: {  	[tilespmem:s7], [sflag:$0x4] =	stream.indirect.gather [hbm4b:s19+s14], $0x80, s24, s14, $0xb8;
	[tilespmem:$0x10800] =	vst v63  }
0xc3: {  	_ =	swait.ge [sflag:s17], $0x4000  }
0xc4: {  	[sflag:s17] =	ssyncset.done $0x0  }
0xc5: {  	s1 =	rddreg [dreg:$0xd];
	[sflag:s17] =	ssyncadd.s32 $0xFFFFC000  }
0xc6: {  	[hbm4b:s1+s2] =	stream.linear.scatter [tilespmem:s12], [sflag:$0x5], $0x4000, $0x38;
	[tilespmem:$0x10800] =	vst v63  }
0xc7: {  	_ =	swait.ge [sflag:s6], $0x4000  }
0xc8: {  	[sflag:s6] =	ssyncset.done $0x0  }
0xc9: {  	[sflag:s6] =	ssyncadd.s32 $0xFFFFC000  }
0xca: {  	[tilespmem:s12], [sflag:$0x1] =	stream.indirect.gather [hbm4b:s10+s14], $0x80, s21, s14, $0xb8;
	[tilespmem:$0x10800] =	vst v63  }
0xcb: {  	_ =	swait.ge [sflag:s15], $0x4000  }
0xcc: {  	[sflag:s15] =	ssyncset.done $0x0  }
0xcd: {  	s1 =	rddreg [dreg:$0xe];
	[sflag:s15] =	ssyncadd.s32 $0xFFFFC000  }
0xce: {  	[hbm4b:s1+s2] =	stream.linear.scatter [tilespmem:s11], [sflag:$0x6], $0x4000, $0x38;
	[tilespmem:$0x10800] =	vst v63  }
0xcf: {  	_ =	swait.ge [sflag:s4], $0x4000  }
0xd0: {  	[sflag:s4] =	ssyncset.done $0x0  }
0xd1: {  	[sflag:s4] =	ssyncadd.s32 $0xFFFFC000  }
0xd2: {  	[tilespmem:s11], [sflag:$0x2] =	stream.indirect.gather [hbm4b:s10+s14], $0x80, s23, s14, $0xb8;
	[tilespmem:$0x10800] =	vst v63  }
0xd3: {  	_ =	swait.ge [sflag:s13], $0x4000  }
0xd4: {  	[sflag:s13] =	ssyncset.done $0x0  }
0xd5: {  	s1 =	rddreg [dreg:$0xf];
	[sflag:s13] =	ssyncadd.s32 $0xFFFFC000  }
0xd6: {  	[hbm4b:s1+s2] =	stream.linear.scatter [tilespmem:s9], [sflag:$0x7], $0x4000, $0x38;
	[tilespmem:$0x10800] =	vst v63  }
0xd7: {  	_ =	swait.ge [sflag:s5], $0x4000  }
0xd8: {  	[sflag:s5] =	ssyncset.done $0x0  }
0xd9: {  	[sflag:s5] =	ssyncadd.s32 $0xFFFFC000  }
0xda: {  	[tilespmem:s9], [sflag:$0x3] =	stream.indirect.gather [hbm4b:s10+s14], $0x80, s22, s14, $0xb8;
	[tilespmem:$0x10800] =	vst v63  }
0xdb: {  	_ =	swait.ge [sflag:s16], $0x4000  }
0xdc: {  	[sflag:s16] =	ssyncset.done $0x0  }
0xdd: {  	s1 =	rddreg [dreg:$0x10];
	[sflag:s16] =	ssyncadd.s32 $0xFFFFC000  }
0xde: {  	[hbm4b:s1+s2] =	stream.linear.scatter [tilespmem:s7], [sflag:$0x8], $0x4000, $0x38;
	[tilespmem:$0x10800] =	vst v63  }
0xdf: {  	_ =	swait.ge [sflag:s8], $0x4000  }
0xe0: {  	[sflag:s8] =	ssyncset.done $0x0  }
0xe1: {  	[sflag:s8] =	ssyncadd.s32 $0xFFFFC000  }
0xe2: {  	[tilespmem:s7], [sflag:$0x4] =	stream.indirect.gather [hbm4b:s10+s14], $0x80, s20, s14, $0xb8;
	[tilespmem:$0x10800] =	vst v63  }
0xe3: {  	_ =	swait.ge [sflag:s17], $0x4000  }
0xe4: {  	[sflag:s17] =	ssyncset.done $0x0  }
0xe5: {  	s1 =	rddreg [dreg:$0x11];
	[sflag:s17] =	ssyncadd.s32 $0xFFFFC000  }
0xe6: {  	[hbm4b:s1+s2] =	stream.linear.scatter [tilespmem:s12], [sflag:$0x5], $0x4000, $0x38;
	[tilespmem:$0x10800] =	vst v63  }
0xe7: {  	_ =	swait.ge [sflag:s15], $0x4000  }
0xe8: {  	[sflag:s15] =	ssyncset.done $0x0  }
0xe9: {  	s1 =	rddreg [dreg:$0x12];
	[sflag:s15] =	ssyncadd.s32 $0xFFFFC000  }
0xea: {  	[hbm4b:s1+s2] =	stream.linear.scatter [tilespmem:s11], [sflag:$0x6], $0x4000, $0x38;
	[tilespmem:$0x10800] =	vst v63  }
0xeb: {  	_ =	swait.ge [sflag:s13], $0x4000  }
0xec: {  	[sflag:s13] =	ssyncset.done $0x0  }
0xed: {  	s1 =	rddreg [dreg:$0x13];
	[sflag:s13] =	ssyncadd.s32 $0xFFFFC000  }
0xee: {  	[hbm4b:s1+s2] =	stream.linear.scatter [tilespmem:s9], [sflag:$0x7], $0x4000, $0x38;
	[tilespmem:$0x10800] =	vst v63  }
0xef: {  	_ =	swait.ge [sflag:s16], $0x4000  }
0xf0: {  	[sflag:s16] =	ssyncset.done $0x0  }
0xf1: {  	[sflag:s16] =	ssyncadd.s32 $0xFFFFC000  }
0xf2: {  	[hbm4b:s3+s2] =	stream.linear.scatter [tilespmem:s7], [sflag:$0x8], $0x4000, $0x38;
	[tilespmem:$0x10800] =	vst v63  }
0xf3: {  	_ =	swait.ge [sflag:s6], $0x4000  }
0xf4: {  	[sflag:s6] =	ssyncset.done $0x0  }
0xf5: {  	[sflag:s6] =	ssyncadd.s32 $0xFFFFC000  }
0xf6: {  	_ =	swait.ge [sflag:s4], $0x4000  }
0xf7: {  	[sflag:s4] =	ssyncset.done $0x0  }
0xf8: {  	p1 =	sne.s32 s0, $0x1;
	[sflag:s4] =	ssyncadd.s32 $0xFFFFC000  }
.Ltmp2:
0xf9: {  	_ =	swait.ge [sflag:s5], $0x4000;
	(pc) =	sbr.rel @p1 .LBB2_2-.Ltmp2, $4  }
0xfa: {  	[sflag:s5] =	ssyncset.done $0x0  }
0xfb: {  	[sflag:s5] =	ssyncadd.s32 $0xFFFFC000  }
0xfc: {  	_ =	swait.ge [sflag:s8], $0x4000  }
0xfd: {  	s0 =	sadd.s32 $0xFFFFFFFF, s0;
	s1 =	rddreg [dreg:$0x6];
	[sflag:s8] =	ssyncset.done $0x0  }
.LBB2_3:
0xfe: {  	[sflag:s8] =	ssyncadd.s32 @p0 $0xFFFFC000  }
0xff: {  	[tilespmem:s2], [sflag:$0x9] =	stream.linear.gather [hbm4b:s1+s2], $0x200, $0x38;
	[tilespmem:$0x10800] =	vst v63  }
0x100: {  	_ =	swait.ge [sflag:s29], $0x200  }
0x101: {  	[sflag:s29] =	ssyncset.done $0x0  }
0x102: {  	s0 =	rddreg [dreg:$0x7];
	[sflag:s29] =	ssyncadd.s32 $0xFFFFFE00  }
0x103: {  	[tilespmem:s26], [sflag:$0x9] =	stream.linear.gather [hbm4b:s0+s2], $0x200, $0x38;
	[tilespmem:$0x10800] =	vst v63  }
0x104: {  	_ =	swait.ge [sflag:s29], $0x200  }
0x105: {  	[sflag:s29] =	ssyncset.done $0x0  }
0x106: {  	s1 =	rddreg [dreg:$0x8];
	[sflag:s29] =	ssyncadd.s32 $0xFFFFFE00  }
0x107: {  	[tilespmem:s21], [sflag:$0x9] =	stream.linear.gather [hbm4b:s1+s2], $0x200, $0x38;
	[tilespmem:$0x10800] =	vst v63  }
0x108: {  	_ =	swait.ge [sflag:s29], $0x200  }
0x109: {  	[sflag:s29] =	ssyncset.done $0x0  }
0x10a: {  	[sflag:s29] =	ssyncadd.s32 $0xFFFFFE00  }
0x10b: {  	[tilespmem:s12], [sflag:$0x1] =	stream.indirect.gather [hbm4b:s18+s14], $0x80, s2, s14, $0xb8;
	[tilespmem:$0x10800] =	vst v63  }
0x10c: {  	_ = 	snop  }
0x10d: {  	[tilespmem:s11], [sflag:$0x2] =	stream.indirect.gather [hbm4b:s18+s14], $0x80, s14, s14, $0xb8;
	[tilespmem:$0x10800] =	vst v63  }
0x10e: {  	_ = 	snop  }
0x10f: {  	[tilespmem:s9], [sflag:$0x3] =	stream.indirect.gather [hbm4b:s18+s14], $0x80, s30, s14, $0xb8;
	[tilespmem:$0x10800] =	vst v63  }
0x110: {  	_ = 	snop  }
0x111: {  	[tilespmem:s7], [sflag:$0x4] =	stream.indirect.gather [hbm4b:s18+s14], $0x80, s31, s14, $0xb8;
	[tilespmem:$0x10800] =	vst v63  }
0x112: {  	_ =	swait.ge [sflag:s17], $0x4000  }
0x113: {  	[sflag:s17] =	ssyncset.done $0x0  }
0x114: {  	s30 =	rddreg [dreg:$0x9];
	[sflag:s17] =	ssyncadd.s32 $0xFFFFC000  }
0x115: {  	[hbm4b:s30+s2] =	stream.linear.scatter [tilespmem:s12], [sflag:$0x5], $0x4000, $0x38;
	[tilespmem:$0x10800] =	vst v63  }
0x116: {  	_ =	swait.ge [sflag:s6], $0x4000  }
0x117: {  	[sflag:s6] =	ssyncset.done $0x0  }
0x118: {  	[sflag:s6] =	ssyncadd.s32 $0xFFFFC000  }
0x119: {  	[tilespmem:s12], [sflag:$0x1] =	stream.indirect.gather [hbm4b:s19+s14], $0x80, s26, s14, $0xb8;
	[tilespmem:$0x10800] =	vst v63  }
0x11a: {  	_ =	swait.ge [sflag:s15], $0x4000  }
0x11b: {  	[sflag:s15] =	ssyncset.done $0x0  }
0x11c: {  	s31 =	rddreg [dreg:$0xa];
	[sflag:s15] =	ssyncadd.s32 $0xFFFFC000  }
0x11d: {  	[hbm4b:s31+s2] =	stream.linear.scatter [tilespmem:s11], [sflag:$0x6], $0x4000, $0x38;
	[tilespmem:$0x10800] =	vst v63  }
0x11e: {  	_ =	swait.ge [sflag:s4], $0x4000  }
0x11f: {  	[sflag:s4] =	ssyncset.done $0x0  }
0x120: {  	[sflag:s4] =	ssyncadd.s32 $0xFFFFC000  }
0x121: {  	[tilespmem:s11], [sflag:$0x2] =	stream.indirect.gather [hbm4b:s19+s14], $0x80, s28, s14, $0xb8;
	[tilespmem:$0x10800] =	vst v63  }
0x122: {  	_ =	swait.ge [sflag:s13], $0x4000  }
0x123: {  	[sflag:s13] =	ssyncset.done $0x0  }
0x124: {  	s1 =	rddreg [dreg:$0xb];
	[sflag:s13] =	ssyncadd.s32 $0xFFFFC000  }
0x125: {  	[hbm4b:s1+s2] =	stream.linear.scatter [tilespmem:s9], [sflag:$0x7], $0x4000, $0x38;
	[tilespmem:$0x10800] =	vst v63  }
0x126: {  	_ =	swait.ge [sflag:s5], $0x4000  }
0x127: {  	[sflag:s5] =	ssyncset.done $0x0  }
0x128: {  	[sflag:s5] =	ssyncadd.s32 $0xFFFFC000  }
0x129: {  	[tilespmem:s9], [sflag:$0x3] =	stream.indirect.gather [hbm4b:s19+s14], $0x80, s25, s14, $0xb8;
	[tilespmem:$0x10800] =	vst v63  }
0x12a: {  	_ =	swait.ge [sflag:s16], $0x4000  }
0x12b: {  	[sflag:s16] =	ssyncset.done $0x0  }
0x12c: {  	s18 =	rddreg [dreg:$0xc];
	[sflag:s16] =	ssyncadd.s32 $0xFFFFC000  }
0x12d: {  	[hbm4b:s18+s2] =	stream.linear.scatter [tilespmem:s7], [sflag:$0x8], $0x4000, $0x38;
	[tilespmem:$0x10800] =	vst v63  }
0x12e: {  	_ =	swait.ge [sflag:s8], $0x4000  }
0x12f: {  	[sflag:s8] =	ssyncset.done $0x0  }
0x130: {  	[sflag:s8] =	ssyncadd.s32 $0xFFFFC000  }
0x131: {  	[tilespmem:s7], [sflag:$0x4] =	stream.indirect.gather [hbm4b:s19+s14], $0x80, s24, s14, $0xb8;
	[tilespmem:$0x10800] =	vst v63  }
0x132: {  	_ =	swait.ge [sflag:s17], $0x4000  }
0x133: {  	[sflag:s17] =	ssyncset.done $0x0  }
0x134: {  	s19 =	rddreg [dreg:$0xd];
	[sflag:s17] =	ssyncadd.s32 $0xFFFFC000  }
0x135: {  	[hbm4b:s19+s2] =	stream.linear.scatter [tilespmem:s12], [sflag:$0x5], $0x4000, $0x38;
	[tilespmem:$0x10800] =	vst v63  }
0x136: {  	_ =	swait.ge [sflag:s6], $0x4000  }
0x137: {  	[sflag:s6] =	ssyncset.done $0x0  }
0x138: {  	[sflag:s6] =	ssyncadd.s32 $0xFFFFC000  }
0x139: {  	[tilespmem:s12], [sflag:$0x1] =	stream.indirect.gather [hbm4b:s10+s14], $0x80, s21, s14, $0xb8;
	[tilespmem:$0x10800] =	vst v63  }
0x13a: {  	_ =	swait.ge [sflag:s15], $0x4000  }
0x13b: {  	[sflag:s15] =	ssyncset.done $0x0  }
0x13c: {  	s24 =	rddreg [dreg:$0xe];
	[sflag:s15] =	ssyncadd.s32 $0xFFFFC000  }
0x13d: {  	[hbm4b:s24+s2] =	stream.linear.scatter [tilespmem:s11], [sflag:$0x6], $0x4000, $0x38;
	[tilespmem:$0x10800] =	vst v63  }
0x13e: {  	_ =	swait.ge [sflag:s4], $0x4000  }
0x13f: {  	[sflag:s4] =	ssyncset.done $0x0  }
0x140: {  	[sflag:s4] =	ssyncadd.s32 $0xFFFFC000  }
0x141: {  	[tilespmem:s11], [sflag:$0x2] =	stream.indirect.gather [hbm4b:s10+s14], $0x80, s23, s14, $0xb8;
	[tilespmem:$0x10800] =	vst v63  }
0x142: {  	_ =	swait.ge [sflag:s13], $0x4000  }
0x143: {  	[sflag:s13] =	ssyncset.done $0x0  }
0x144: {  	s25 =	rddreg [dreg:$0xf];
	[sflag:s13] =	ssyncadd.s32 $0xFFFFC000  }
0x145: {  	[hbm4b:s25+s2] =	stream.linear.scatter [tilespmem:s9], [sflag:$0x7], $0x4000, $0x38;
	[tilespmem:$0x10800] =	vst v63  }
0x146: {  	_ =	swait.ge [sflag:s5], $0x4000  }
0x147: {  	[sflag:s5] =	ssyncset.done $0x0  }
0x148: {  	[sflag:s5] =	ssyncadd.s32 $0xFFFFC000  }
0x149: {  	[tilespmem:s9], [sflag:$0x3] =	stream.indirect.gather [hbm4b:s10+s14], $0x80, s22, s14, $0xb8;
	[tilespmem:$0x10800] =	vst v63  }
0x14a: {  	_ =	swait.ge [sflag:s16], $0x4000  }
0x14b: {  	[sflag:s16] =	ssyncset.done $0x0  }
0x14c: {  	s26 =	rddreg [dreg:$0x10];
	[sflag:s16] =	ssyncadd.s32 $0xFFFFC000  }
0x14d: {  	[hbm4b:s26+s2] =	stream.linear.scatter [tilespmem:s7], [sflag:$0x8], $0x4000, $0x38;
	[tilespmem:$0x10800] =	vst v63  }
0x14e: {  	_ =	swait.ge [sflag:s8], $0x4000  }
0x14f: {  	[sflag:s8] =	ssyncset.done $0x0  }
0x150: {  	[sflag:s8] =	ssyncadd.s32 $0xFFFFC000  }
0x151: {  	[tilespmem:s7], [sflag:$0x4] =	stream.indirect.gather [hbm4b:s10+s14], $0x80, s20, s14, $0xb8;
	[tilespmem:$0x10800] =	vst v63  }
0x152: {  	_ =	swait.ge [sflag:s17], $0x4000  }
0x153: {  	[sflag:s17] =	ssyncset.done $0x0  }
0x154: {  	s28 =	rddreg [dreg:$0x11];
	[sflag:s17] =	ssyncadd.s32 $0xFFFFC000  }
0x155: {  	[hbm4b:s28+s2] =	stream.linear.scatter [tilespmem:s12], [sflag:$0x5], $0x4000, $0x38;
	[tilespmem:$0x10800] =	vst v63  }
0x156: {  	_ =	swait.ge [sflag:s15], $0x4000  }
0x157: {  	[sflag:s15] =	ssyncset.done $0x0  }
0x158: {  	s29 =	rddreg [dreg:$0x12];
	[sflag:s15] =	ssyncadd.s32 $0xFFFFC000  }
0x159: {  	[hbm4b:s29+s2] =	stream.linear.scatter [tilespmem:s11], [sflag:$0x6], $0x4000, $0x38;
	[tilespmem:$0x10800] =	vst v63  }
0x15a: {  	_ =	swait.ge [sflag:s13], $0x4000  }
0x15b: {  	[sflag:s13] =	ssyncset.done $0x0  }
0x15c: {  	s30 =	rddreg [dreg:$0x13];
	[sflag:s13] =	ssyncadd.s32 $0xFFFFC000  }
0x15d: {  	[hbm4b:s30+s2] =	stream.linear.scatter [tilespmem:s9], [sflag:$0x7], $0x4000, $0x38;
	[tilespmem:$0x10800] =	vst v63  }
0x15e: {  	_ =	swait.ge [sflag:s16], $0x4000  }
0x15f: {  	[sflag:s16] =	ssyncset.done $0x0  }
0x160: {  	[sflag:s16] =	ssyncadd.s32 $0xFFFFC000  }
0x161: {  	[hbm4b:s3+s2] =	stream.linear.scatter [tilespmem:s7], [sflag:$0x8], $0x4000, $0x38;
	[tilespmem:$0x10800] =	vst v63  }
0x162: {  	_ =	swait.ge [sflag:s6], $0x4000  }
0x163: {  	[sflag:s6] =	ssyncset.done $0x0  }
0x164: {  	[sflag:s6] =	ssyncadd.s32 $0xFFFFC000  }
0x165: {  	_ =	swait.ge [sflag:s4], $0x4000  }
0x166: {  	[sflag:s4] =	ssyncset.done $0x0  }
0x167: {  	[sflag:s4] =	ssyncadd.s32 $0xFFFFC000  }
0x168: {  	_ =	swait.ge [sflag:s5], $0x4000  }
0x169: {  	[sflag:s5] =	ssyncset.done $0x0  }
0x16a: {  	[sflag:s5] =	ssyncadd.s32 $0xFFFFC000  }
0x16b: {  	_ =	swait.ge [sflag:s8], $0x4000  }
0x16c: {  	[sflag:s8] =	ssyncset.done $0x0  }
0x16d: {  	[sflag:s8] =	ssyncadd.s32 $0xFFFFC000  }
0x16e: {  	_ =	sfence.sel $0x180000  }
0x16f: {  	[bflag:$0x0] =	sbarrier.arrive $0xFFFF  }
0x170: {  	_ =	strace $0x90000047  }
0x171: {  	s31 =	stileid.u32;
	[bflag:$0x2] =	sbarrier.arrive $0xFFFF  }
0x172: {  	p0 =	sne.s32 s31, $0x0;
	s0 =	rddreg [dreg:$0x5]  }
0x173: {  	s0 =	sadd.s32 @!p0 $0x100000, s0  }
0x174: {  	[sflag:s0] =	ssyncadd.tile.s32 @!p0 $0x1;
	_ =	shalt  }
.Lfunc_end2:
_tile_overlayer_lowered:
.L_overlay_start_2:
0x175: {  	(tag) =	ssettag $0x2  }
0x176: {  	s0 =	rddreg [dreg:$0x0];
	s2 =	stileid.u32  }
0x177: {  	s1 =	rddreg [dreg:$0x1];
	p0 =	sne.s32 s2, $0x0  }
0x178: {  	s3 =	rddreg [dreg:$0x2];
	[bflag:$0x3] =	sbarrier.arrive $0xFFFF;
	s2 =	simm.s32 @!p0 $0x1C09  }
0x179: {  	[timem:s3], [sflag:s2] =	dma.local @!p0 [hbm:s0], s1  }
0x17a: {  	s0 =	simm.s32 @!p0 $0x9  }
0x17b: {  	_ =	swait.ge @!p0 [sflag:s0], s1  }
0x17c: {  	s1 =	ssub.s32 @!p0 $0x0, s1;
	[sflag:s0] =	ssyncset.done @!p0 $0x0  }
0x17d: {  	[sflag:s0] =	ssyncadd.s32 @!p0 s1  }
0x17e: {  	[bflag:$0x3] =	sbarrier.arrive $0xFFFF  }
0x17f: {  	_ =	shalt  }

// kernel: kernel.8.cloned.1.call-start
scs
__scs_entry_jumppad:
0x0: {  	(pc) =	sbr.rel $0x88, $3  }
0x1: {  	(tag) =	ssettag $0x0;
	lr =	simm.s32 $0x1  }
0x2: {  	[smem:$0x3F95] =	sst lr;
	_ =	strace $0xD0000000  }
0x3: {  	_ = 	snop  }
0x4: {  	_ = 	snop  }
0x5: {  	_ = 	snop  }
0x6: {  	_ = 	snop  }
0x7: {  	_ = 	snop  }
__scs_overlays_trampoline_lowered:
0x8: {  	[smem:$0x3FA4] =	sst s0  }
0x9: {  	[smem:$0x3FA5] =	sst s1  }
0xa: {  	[smem:$0x3FA6] =	sst s2  }
0xb: {  	[smem:$0x3FA7] =	sst s3  }
0xc: {  	[smem:$0x3FA8] =	sst s4  }
0xd: {  	[smem:$0x3FA9] =	sst s5  }
0xe: {  	[smem:$0x3FAA] =	sst s6  }
0xf: {  	[smem:$0x3FAB] =	sst s7  }
0x10: {  	[smem:$0x3FAC] =	sst s8  }
0x11: {  	[smem:$0x3FAD] =	sst s9;
	s0 =	simm.s32 @!p0 $0x0  }
0x12: {  	s1 =	sld [smem:$0x3F93];
	s0 =	simm.s32 @p0 $0x1  }
0x13: {  	[smem:$0x3FAE] =	sst s0;
	s0 =	simm.s32 @!p1 $0x0  }
0x14: {  	s2 =	sld [smem:$0x3F92];
	s0 =	simm.s32 @p1 $0x1  }
0x15: {  	[smem:$0x3FAF] =	sst s0;
	s0 =	simm.s32 @!p2 $0x0  }
0x16: {  	s3 =	sld [smem:$0x3FDB];
	s0 =	simm.s32 @p2 $0x1  }
0x17: {  	s4 =	simm.s32 $0x1BF5;
	[smem:$0x3FB1] =	sst s0  }
0x18: {  	s0 =	sld [smem:$0x3F94];
	_ =	swait.ge [sflag:s4], $0x0  }
0x19: {  	s7 =	sld [smem:$0x3F95]  }
0x1a: {  	s8 =	sadd.s32 $0xFFFFE003, lr  }
0x1b: {  	s9 =	sadd.s32 $0xFFFFFEF7, lr;
	s5 =	simm.s32 $0xFFFFFFFF;
	p2 =	slt.u32 s8, $0xFFFFF086  }
0x1c: {  	p1 =	slt.u32 s9, $0xF7A;
	s5 =	simm.s32 @!p2 $0x0  }
0x1d: {  	s5 =	simm.s32 @p1 $0x1;
	p0 =	seq.s32 s7, s2  }
0x1e: {  	s7 =	smul.u32 @!p0 $0xF7A, s2;
	p2 =	seq.s32 @!p0 s5, $0x0  }
0x1f: {  	s9 =	smul.u32 $0xF7A, s1;
	s8 =	simm.s32 @!p0 $0x1BF5;
	p2 =	por !p2, p0  }
0x20: {  	[sflag:s8] =	ssyncset.s32 @!p0 $0xFFFFF086;
	s6 =	sadd.s32 @!p0 s3, s7;
	s7 =	simm.s32 @!p0 $0x108  }
0x21: {  	s3 =	sadd.s32 s3, s9;
	s6 =	sadd.s32 @!p0 $0x88, s6;
	s7 =	simm.s32 @p2 $0x1082  }
0x22: {  	[simem:s7], [sflag:s8] =	dma.local @!p0 [hbm:s6], $0xF7A  }
0x23: {  	s9 =	sor.u32 $0xD0000000, s2;
	s6 =	simm.s32 $0x108;
	_ =	swait.ge @!p0 [sflag:s8], $0x0  }
0x24: {  	s3 =	sadd.s32 $0x88, s3;
	s6 =	simm.s32 @!p1 $0x1082;
	[sflag:s4] =	ssyncset.s32 $0xFFFFF086  }
0x25: {  	[simem:s6], [sflag:s4] =	dma.local [hbm:s3], $0xF7A  }
0x26: {  	[smem:$0x3F95] =	sst s1;
	(tag) =	ssettag s2;
	_ =	strace s9  }
0x27: {  	s1 =	sld [smem:$0x3FA5]  }
0x28: {  	s2 =	sld [smem:$0x3FA6]  }
0x29: {  	s4 =	sld [smem:$0x3FA8]  }
0x2a: {  	p0 =	seq.s32 s5, $0x0;
	s5 =	sld [smem:$0x3FA9]  }
0x2b: {  	s6 =	sld [smem:$0x3FAA]  }
0x2c: {  	s7 =	sld [smem:$0x3FAB]  }
0x2d: {  	s3 =	simm.s32 $0x108;
	s8 =	sld [smem:$0x3FAC]  }
0x2e: {  	s3 =	simm.s32 @!p0 $0x1082;
	s9 =	sld [smem:$0x3FAD]  }
0x2f: {  	lr =	sadd.s32 s0, s3;
	s0 =	sld [smem:$0x3FA4]  }
0x30: {  	s3 =	sld [smem:$0x3FA7]  }
0x31: {  	[smem:$0x3FB0] =	sst s10  }
0x32: {  	s10 =	sld [smem:$0x3FAE];
	_ =	sdelay $0x3  }
0x33: {  	p0 =	seq.s32 s10, $0x1;
	s10 =	sld [smem:$0x3FB0];
	_ =	sdelay $0x3  }
0x34: {  	[smem:$0x3FB0] =	sst s10  }
0x35: {  	s10 =	sld [smem:$0x3FAF];
	_ =	sdelay $0x3  }
0x36: {  	p1 =	seq.s32 s10, $0x1;
	s10 =	sld [smem:$0x3FB0];
	_ =	sdelay $0x3  }
0x37: {  	[smem:$0x3FB0] =	sst s10  }
0x38: {  	s10 =	sld [smem:$0x3FB1]  }
0x39: {  	_ = 	snop;
	(pc) =	sbr.ind lr, $3  }
0x3a: {  	_ = 	snop  }
0x3b: {  	_ = 	snop  }
0x3c: {  	p2 =	seq.s32 s10, $0x1;
	s10 =	sld [smem:$0x3FB0]  }
0x3d: {  	_ =	shalt  }
0x3e: {  	_ =	shalt  }
0x3f: {  	_ =	shalt  }
0x40: {  	_ =	shalt  }
0x41: {  	_ =	shalt  }
0x42: {  	_ =	shalt  }
0x43: {  	_ =	shalt  }
0x44: {  	_ =	shalt  }
0x45: {  	_ =	shalt  }
0x46: {  	_ =	shalt  }
0x47: {  	_ =	shalt  }
0x48: {  	_ =	shalt  }
0x49: {  	_ =	shalt  }
0x4a: {  	_ =	shalt  }
0x4b: {  	_ =	shalt  }
0x4c: {  	_ =	shalt  }
0x4d: {  	_ =	shalt  }
0x4e: {  	_ =	shalt  }
0x4f: {  	_ =	shalt  }
0x50: {  	_ =	shalt  }
0x51: {  	_ =	shalt  }
0x52: {  	_ =	shalt  }
0x53: {  	_ =	shalt  }
0x54: {  	_ =	shalt  }
0x55: {  	_ =	shalt  }
0x56: {  	_ =	shalt  }
0x57: {  	_ =	shalt  }
0x58: {  	_ =	shalt  }
0x59: {  	_ =	shalt  }
0x5a: {  	_ =	shalt  }
0x5b: {  	_ =	shalt  }
0x5c: {  	_ =	shalt  }
0x5d: {  	_ =	shalt  }
0x5e: {  	_ =	shalt  }
0x5f: {  	_ =	shalt  }
0x60: {  	_ =	shalt  }
0x61: {  	_ =	shalt  }
0x62: {  	_ =	shalt  }
0x63: {  	_ =	shalt  }
0x64: {  	_ =	shalt  }
0x65: {  	_ =	shalt  }
0x66: {  	_ =	shalt  }
0x67: {  	_ =	shalt  }
0x68: {  	_ =	shalt  }
0x69: {  	_ =	shalt  }
0x6a: {  	_ =	shalt  }
0x6b: {  	_ =	shalt  }
0x6c: {  	_ =	shalt  }
0x6d: {  	_ =	shalt  }
0x6e: {  	_ =	shalt  }
0x6f: {  	_ =	shalt  }
0x70: {  	_ =	shalt  }
0x71: {  	_ =	shalt  }
0x72: {  	_ =	shalt  }
0x73: {  	_ =	shalt  }
0x74: {  	_ =	shalt  }
0x75: {  	_ =	shalt  }
0x76: {  	_ =	shalt  }
0x77: {  	_ =	shalt  }
0x78: {  	_ =	shalt  }
0x79: {  	_ =	shalt  }
0x7a: {  	_ =	shalt  }
0x7b: {  	_ =	shalt  }
0x7c: {  	_ =	shalt  }
0x7d: {  	_ =	shalt  }
0x7e: {  	_ =	shalt  }
0x7f: {  	_ =	shalt  }
0x80: {  	_ =	shalt  }
0x81: {  	_ =	shalt  }
0x82: {  	_ =	shalt  }
0x83: {  	_ =	shalt  }
0x84: {  	_ =	shalt  }
0x85: {  	_ =	shalt  }
0x86: {  	_ =	shalt  }
0x87: {  	_ =	shalt  }
.Lfunc_end0:
.L_simem_size_0:
called_computation.1_lowered:
.L_overlay_start_0:
0x88: {  	s2 =	sld [smem:$0x3FD9]  }
0x89: {  	s3 =	sld [smem:$0x3FFE];
	_ =	sdelay $0x1  }
0x8a: {  	s1 =	srdreg.scid  }
0x8b: {  	s0 =	sand.u32 $0x1, s1  }
0x8c: {  	s17 =	sshll.u32 s0, $0xA;
	s2 =	sadd.s32 s3, s2  }
0x8d: {  	s2 =	sadd.s32 s2, s17  }
0x8e: {  	[smem:$0x3FBC] =	sst s2  }
0x8f: {  	_ = 	snop  }
0x90: {  	(tm) =	ssettm $0x1  }
0x91: {  	s18 =	sld [smem:$0x3FFB];
	_ =	sdelay $0x3  }
0x92: {  	_ =	strace s18  }
0x93: {  	s2 =	sld [smem:$0x3FFC];
	_ =	sdelay $0x3  }
0x94: {  	_ =	strace s2  }
0x95: {  	s2 =	sld [smem:$0x3FFD];
	_ =	sdelay $0x3  }
0x96: {  	_ =	strace s2  }
0x97: {  	_ =	strace $0x8FFFFFFF  }
0x98: {  	s19 =	sld [smem:$0x3FDB];
	_ =	sdelay $0x1  }
0x99: {  	s20 =	simm.s32 $_scs_section_size  }
0x9a: {  	s4 =	simm.s32 $_size__tile_overlayer_lowered;
	s5 =	simm.s32 $_tile_overlayer_lowered  }
0x9b: {  	s6 =	simm.s32 $0x1BFF;
	s21 =	sshll.u32 s5, $0x1;
	s3 =	sadd.s32 s20, s19  }
0x9c: {  	s22 =	simm.s32 $0x0;
	s4 =	sshll.u32 s4, $0x1;
	s5 =	sadd.s32 s21, s3  }
0x9d: {  	[timem:s22], [sflag:s6] =	dma.local [hbm:s5], s4  }
0x9e: {  	_ =	swait.ge [sflag:s6], s4  }
0x9f: {  	s4 =	ssub.s32 $0x0, s4;
	[sflag:s6] =	ssyncset.done $0x0  }
0xa0: {  	[sflag:s6] =	ssyncadd.s32 s4;
	_ =	sdelay $0x1  }
0xa1: {  	s23 =	simm.s32 $0x1B8B  }
0xa2: {  	_ =	swait.ge [sflag:s23], $0x1  }
0xa3: {  	[sflag:s23] =	ssyncset.done $0x0  }
0xa4: {  	[sflag:s23] =	ssyncadd.s32 $0xFFFFFFFF  }
0xa5: {  	s4 =	sld [smem:$0x0]  }
0xa6: {  	s5 =	sand.u32 $0xFFFFFFFE, s1  }
0xa7: {  	p0 =	sne.s32 s1, s5  }
0xa8: {  	s5 =	sshll.u32 @p0 s5, $0xE  }
0xa9: {  	s5 =	sadd.s32 @p0 $0x11B8D, s5;
	s6 =	sshll.u32 @p0 s4, $0x11  }
0xaa: {  	s5 =	sor.u32 @p0 s6, s5  }
0xab: {  	[sflag:s5] =	ssyncadd.remote.s32 @p0 $0x1;
	_ =	sdelay $0x1  }
0xac: {  	s5 =	simm.s32 @p0 $0x1B8D  }
0xad: {  	_ =	swait.eq @p0 [sflag:s5], $0x1  }
0xae: {  	[sflag:s5] =	ssyncadd.s32 @p0 $0xFFFFFFFF  }
0xaf: {  	s6 =	sshll.u32 @!p0 s1, $0xE  }
0xb0: {  	s6 =	sor.u32 @!p0 $0x4000, s6;
	s5 =	simm.s32 @!p0 $0x1B8D  }
0xb1: {  	s4 =	sshll.u32 @!p0 s4, $0x11;
	s6 =	sadd.s32 @!p0 $0x11B8D, s6;
	_ =	swait.eq @!p0 [sflag:s5], $0x1  }
0xb2: {  	s4 =	sor.u32 @!p0 s4, s6;
	[sflag:s5] =	ssyncadd.s32 @!p0 $0xFFFFFFFF  }
0xb3: {  	s25 =	simm.s32 $0x1B8E;
	s24 =	sld [smem:$0x3FFE];
	[sflag:s4] =	ssyncadd.remote.s32 @!p0 $0x1  }
0xb4: {  	s26 =	simm.s32 $execute0_lowered;
	[smem:$0x3FD2] =	sst s25  }
0xb5: {  	s5 =	sshll.u32 s26, $0x1;
	_ =	strace $0x80000049;
	[dreg:$0x1] =	wrdreg $0xFFFFFFFF  }
0xb6: {  	s28 =	simm.s32 $_size_execute0_lowered;
	s3 =	sadd.s32 s3, s5;
	[dreg:$0x0] =	wrdreg $0x0  }
0xb7: {  	s5 =	sshll.u32 s28, $0x1;
	[dreg:$0x2] =	wrdreg s3  }
0xb8: {  	[dreg:$0x3] =	wrdreg s5  }
0xb9: {  	[dreg:$0x4] =	wrdreg $0xC0  }
0xba: {  	_ =	task [dreg:s22], $0x5FFFF  }
0xbb: {  	[dreg:$0x1] =	wrdreg $0xFFFFFFFF  }
0xbc: {  	[dreg:$0x0] =	wrdreg $0x60  }
0xbd: {  	[dreg:$0x2] =	wrdreg s24  }
0xbe: {  	[dreg:$0x3] =	wrdreg $0xA  }
0xbf: {  	_ =	task.clear_ibuf [dreg:s22], $0x4FFFF;
	_ =	strace $0x90000049  }
0xc0: {  	s29 =	simm.s32 $0xA;
	_ =	strace $0x8000004B  }
0xc1: {  	_ =	swait.ge [sflag:s29], $0x1  }
0xc2: {  	[sflag:s29] =	ssyncadd.s32 $0xFFFFFFFF  }
0xc3: {  	_ =	strace $0x9000004B  }
0xc4: {  	_ =	sfence  }
0xc5: {  	s30 =	sld [smem:$0x0];
	_ =	sdelay $0x2  }
0xc6: {  	s31 =	sshll.u32 s1, $0xD;
	s1 =	sshrl.u32 s1, $0x2  }
0xc7: {  	s4 =	sand.u32 $0x4000, s31;
	s1 =	sadd.s32 s1, s30  }
0xc8: {  	s0 =	sor.u32 s4, s0;
	s1 =	sshll.u32 s1, $0x11  }
0xc9: {  	s0 =	sor.u32 s1, s0  }
0xca: {  	s0 =	sadd.s32 $0x8F2B, s0  }
0xcb: {  	[sflag:s0] =	ssyncadd.remote.s32 $0x1  }
0xcc: {  	_ =	sfence.sel $0xFFFF  }
0xcd: {  	[dreg:$0x0] =	wrdreg $0xFFFFFFFF;
	(pc) =	sbr.abs _section_cstart, $3  }
0xce: {  	[dreg:$0x1] =	wrdreg $0xFFFFFFFF  }
0xcf: {  	_ =	task.clear_ibuf [dreg:s22], $0x2FFFF;
	_ =	strace $0x9FFFFFFF  }
0xd0: {  	(tm) =	ssettm $0x7FFFFFFF  }
0xd1: {  	_ =	shalt  }
tec
execute0_lowered:
.L_overlay_start_1:
0x0: {  	(tag) =	ssettag $0x1  }
0x1: {  	s0 =	srdreg.scid  }
0x2: {  	s14 =	rddreg [dreg:$0x0];
	s23 =	sand.u32 $0x1, s0  }
0x3: {  	s1 =	stileid.u32;
	s2 =	simm.s32 $0x0;
	s3 =	sshll.u32 s23, $0x6  }
0x4: {  	s0 =	rddreg [dreg:$0x1];
	s4 =	sshll.u32 s1, $0x7;
	s3 =	sadd.s32 s3, s14  }
0x5: {  	[smem:$0x7FF] =	sst s2;
	s3 =	sadd.s32 s4, s3  }
0x6: {  	_ =	strace $0x8000004A;
	s4 =	simm.s32 $0x9;
	s3 =	sadd.s32 $0xC9800, s3  }
0x7: {  	[tilespmem:s2], [sflag:$0x9] =	stream.linear.gather [hbm4b:s3+s2], $0x200, $0x38;
	[tilespmem:$0x10200] =	vst v63  }
0x8: {  	_ =	swait.ge [sflag:s4], $0x200  }
0x9: {  	s6 =	simm.s32 $0x80;
	[sflag:s4] =	ssyncset.done $0x0  }
0xa: {  	s7 =	simm.s32 $0x200;
	s5 =	sadd.s32 $0x250200, s14;
	[sflag:s4] =	ssyncadd.s32 $0xFFFFFE00  }
0xb: {  	[tilespmem:s7], [sflag:$0x1] =	stream.indirect.gather [hbm4b:s5+s6], $0x80, s2, s6, $0xb8;
	[tilespmem:$0x10200] =	vst v63  }
0xc: {  	s8 =	simm.s32 $0x4200;
	s9 =	simm.s32 $0x100  }
0xd: {  	[tilespmem:s8], [sflag:$0x2] =	stream.indirect.gather [hbm4b:s5+s6], $0x80, s6, s6, $0xb8;
	[tilespmem:$0x10200] =	vst v63  }
0xe: {  	s10 =	simm.s32 $0x8200;
	s11 =	simm.s32 $0x180;
	s12 =	simm.s32 $0xC200  }
0xf: {  	[tilespmem:s10], [sflag:$0x3] =	stream.indirect.gather [hbm4b:s5+s6], $0x80, s9, s6, $0xb8;
	[tilespmem:$0x10200] =	vst v63  }
0x10: {  	s13 =	simm.s32 $0x1;
	s15 =	sshll.u32 s1, $0xE;
	s16 =	sshll.u32 s23, $0xD  }
0x11: {  	[tilespmem:s12], [sflag:$0x4] =	stream.indirect.gather [hbm4b:s5+s6], $0x80, s11, s6, $0xb8;
	[tilespmem:$0x10200] =	vst v63  }
0x12: {  	s15 =	sor.u32 s16, s15;
	_ =	swait.ge [sflag:s13], $0x4000  }
0x13: {  	s20 =	sadd.s32 s15, s14;
	[sflag:s13] =	ssyncset.done $0x0  }
0x14: {  	s15 =	simm.s32 $0x2;
	s14 =	sadd.s32 $0xCA000, s20;
	[sflag:s13] =	ssyncadd.s32 $0xFFFFC000  }
0x15: {  	[hbm4b:s14+s2] =	stream.linear.scatter [tilespmem:s7], [sflag:$0x5], $0x4000, $0x38;
	[tilespmem:$0x10200] =	vst v63  }
0x16: {  	_ =	swait.ge [sflag:s15], $0x4000  }
0x17: {  	[sflag:s15] =	ssyncset.done $0x0  }
0x18: {  	s17 =	simm.s32 $0x3;
	s16 =	sadd.s32 $0xCA800, s20;
	[sflag:s15] =	ssyncadd.s32 $0xFFFFC000  }
0x19: {  	[hbm4b:s16+s2] =	stream.linear.scatter [tilespmem:s8], [sflag:$0x6], $0x4000, $0x38;
	[tilespmem:$0x10200] =	vst v63  }
0x1a: {  	_ =	swait.ge [sflag:s17], $0x4000  }
0x1b: {  	[sflag:s17] =	ssyncset.done $0x0  }
0x1c: {  	s19 =	simm.s32 $0x4;
	s18 =	sadd.s32 $0xCB000, s20;
	[sflag:s17] =	ssyncadd.s32 $0xFFFFC000  }
0x1d: {  	[hbm4b:s18+s2] =	stream.linear.scatter [tilespmem:s10], [sflag:$0x7], $0x4000, $0x38;
	[tilespmem:$0x10200] =	vst v63  }
0x1e: {  	_ =	swait.ge [sflag:s19], $0x4000  }
0x1f: {  	[sflag:s19] =	ssyncset.done $0x0  }
0x20: {  	s21 =	simm.s32 $0x5;
	s20 =	sadd.s32 $0xCB800, s20;
	[sflag:s19] =	ssyncadd.s32 $0xFFFFC000  }
0x21: {  	[hbm4b:s20+s2] =	stream.linear.scatter [tilespmem:s12], [sflag:$0x8], $0x4000, $0x38;
	[tilespmem:$0x10200] =	vst v63  }
0x22: {  	_ =	swait.ge [sflag:s21], $0x4000  }
0x23: {  	s24 =	ssub.s32 $0x2, s23;
	[sflag:s21] =	ssyncset.done $0x0  }
0x24: {  	s22 =	simm.s32 $0x6;
	s25 =	sshrl.u32 s24, $0x1;
	[sflag:s21] =	ssyncadd.s32 $0xFFFFC000  }
0x25: {  	s24 =	ssub.s32 s24, s25;
	_ =	swait.ge [sflag:s22], $0x4000  }
0x26: {  	s25 =	smax.u32 s24, $0x1;
	[sflag:s22] =	ssyncset.done $0x0  }
0x27: {  	s23 =	simm.s32 $0x7;
	p0 =	sne.s32 s25, $0x1;
	[sflag:s22] =	ssyncadd.s32 $0xFFFFC000  }
.Ltmp0:
0x28: {  	_ =	swait.ge [sflag:s23], $0x4000;
	(pc) =	sbr.rel @!p0 .LBB2_2-.Ltmp0, $4  }
0x29: {  	[sflag:s23] =	ssyncset.done $0x0  }
0x2a: {  	s24 =	simm.s32 $0x8;
	[sflag:s23] =	ssyncadd.s32 $0xFFFFC000  }
0x2b: {  	_ =	swait.ge [sflag:s24], $0x4000  }
0x2c: {  	s25 =	sadd.s32 $0xFFFFFFFF, s25;
	[sflag:s24] =	ssyncset.done $0x0  }
.LBB2_1:
0x2d: {  	p0 =	sne.s32 s25, $0x1;
	s25 =	sadd.s32 $0xFFFFFFFF, s25;
	[sflag:s24] =	ssyncadd.s32 $0xFFFFC000  }
0x2e: {  	[tilespmem:s2], [sflag:$0x9] =	stream.linear.gather [hbm4b:s3+s2], $0x200, $0x38;
	[tilespmem:$0x10200] =	vst v63  }
0x2f: {  	_ =	swait.ge [sflag:s4], $0x200  }
0x30: {  	[sflag:s4] =	ssyncset.done $0x0  }
0x31: {  	[sflag:s4] =	ssyncadd.s32 $0xFFFFFE00  }
0x32: {  	[tilespmem:s7], [sflag:$0x1] =	stream.indirect.gather [hbm4b:s5+s6], $0x80, s2, s6, $0xb8;
	[tilespmem:$0x10200] =	vst v63  }
0x33: {  	_ = 	snop  }
0x34: {  	[tilespmem:s8], [sflag:$0x2] =	stream.indirect.gather [hbm4b:s5+s6], $0x80, s6, s6, $0xb8;
	[tilespmem:$0x10200] =	vst v63  }
0x35: {  	_ = 	snop  }
0x36: {  	[tilespmem:s10], [sflag:$0x3] =	stream.indirect.gather [hbm4b:s5+s6], $0x80, s9, s6, $0xb8;
	[tilespmem:$0x10200] =	vst v63  }
0x37: {  	_ = 	snop  }
0x38: {  	[tilespmem:s12], [sflag:$0x4] =	stream.indirect.gather [hbm4b:s5+s6], $0x80, s11, s6, $0xb8;
	[tilespmem:$0x10200] =	vst v63  }
0x39: {  	_ =	swait.ge [sflag:s13], $0x4000  }
0x3a: {  	[sflag:s13] =	ssyncset.done $0x0  }
0x3b: {  	[sflag:s13] =	ssyncadd.s32 $0xFFFFC000  }
0x3c: {  	[hbm4b:s14+s2] =	stream.linear.scatter [tilespmem:s7], [sflag:$0x5], $0x4000, $0x38;
	[tilespmem:$0x10200] =	vst v63  }
0x3d: {  	_ =	swait.ge [sflag:s15], $0x4000  }
0x3e: {  	[sflag:s15] =	ssyncset.done $0x0  }
0x3f: {  	[sflag:s15] =	ssyncadd.s32 $0xFFFFC000  }
0x40: {  	[hbm4b:s16+s2] =	stream.linear.scatter [tilespmem:s8], [sflag:$0x6], $0x4000, $0x38;
	[tilespmem:$0x10200] =	vst v63  }
0x41: {  	_ =	swait.ge [sflag:s17], $0x4000  }
0x42: {  	[sflag:s17] =	ssyncset.done $0x0  }
0x43: {  	[sflag:s17] =	ssyncadd.s32 $0xFFFFC000  }
0x44: {  	[hbm4b:s18+s2] =	stream.linear.scatter [tilespmem:s10], [sflag:$0x7], $0x4000, $0x38;
	[tilespmem:$0x10200] =	vst v63  }
0x45: {  	_ =	swait.ge [sflag:s19], $0x4000  }
0x46: {  	[sflag:s19] =	ssyncset.done $0x0  }
0x47: {  	[sflag:s19] =	ssyncadd.s32 $0xFFFFC000  }
0x48: {  	[hbm4b:s20+s2] =	stream.linear.scatter [tilespmem:s12], [sflag:$0x8], $0x4000, $0x38;
	[tilespmem:$0x10200] =	vst v63  }
0x49: {  	_ =	swait.ge [sflag:s21], $0x4000  }
0x4a: {  	[sflag:s21] =	ssyncset.done $0x0  }
0x4b: {  	[sflag:s21] =	ssyncadd.s32 $0xFFFFC000  }
0x4c: {  	_ =	swait.ge [sflag:s22], $0x4000  }
0x4d: {  	[sflag:s22] =	ssyncset.done $0x0  }
0x4e: {  	[sflag:s22] =	ssyncadd.s32 $0xFFFFC000  }
.Ltmp1:
0x4f: {  	_ =	swait.ge [sflag:s23], $0x4000;
	(pc) =	sbr.rel @p0 .LBB2_1-.Ltmp1, $4  }
0x50: {  	[sflag:s23] =	ssyncset.done $0x0  }
0x51: {  	[sflag:s23] =	ssyncadd.s32 $0xFFFFC000  }
0x52: {  	_ =	swait.ge [sflag:s24], $0x4000  }
0x53: {  	[sflag:s24] =	ssyncset.done $0x0  }
.LBB2_2:
0x54: {  	[sflag:s24] =	ssyncadd.s32 $0xFFFFC000  }
0x55: {  	_ =	sfence.sel $0x180000  }
0x56: {  	[bflag:$0x0] =	sbarrier.arrive $0xFFFF  }
0x57: {  	p0 =	sne.s32 s1, $0x0;
	_ =	strace $0x9000004A  }
0x58: {  	s0 =	sadd.s32 @!p0 $0x100000, s0;
	[bflag:$0x2] =	sbarrier.arrive $0xFFFF  }
0x59: {  	[sflag:s0] =	ssyncadd.tile.s32 @!p0 $0x1;
	_ =	shalt  }
.Lfunc_end2:
_tile_overlayer_lowered:
.L_overlay_start_2:
0x5a: {  	(tag) =	ssettag $0x2  }
0x5b: {  	s0 =	rddreg [dreg:$0x0];
	s2 =	stileid.u32  }
0x5c: {  	s1 =	rddreg [dreg:$0x1];
	p0 =	sne.s32 s2, $0x0  }
0x5d: {  	s3 =	rddreg [dreg:$0x2];
	[bflag:$0x3] =	sbarrier.arrive $0xFFFF;
	s2 =	simm.s32 @!p0 $0x1C09  }
0x5e: {  	[timem:s3], [sflag:s2] =	dma.local @!p0 [hbm:s0], s1  }
0x5f: {  	s0 =	simm.s32 @!p0 $0x9  }
0x60: {  	_ =	swait.ge @!p0 [sflag:s0], s1  }
0x61: {  	s1 =	ssub.s32 @!p0 $0x0, s1;
	[sflag:s0] =	ssyncset.done @!p0 $0x0  }
0x62: {  	[sflag:s0] =	ssyncadd.s32 @!p0 s1  }
0x63: {  	[bflag:$0x3] =	sbarrier.arrive $0xFFFF  }
0x64: {  	_ =	shalt  }

</sc_bundles>
